<compile_context>
chip_gen: v7x
topology: tpu7x:2x2x1
jax: 0.10.2.dev20260603
libtpu: 0.0.44.dev20260713+nightly
codegen_flags: <defaults>
</compile_context>

<pallas_src>
import functools

import jax
import jax.numpy as jnp
import numpy as np
from jax import lax
from jax.experimental import pallas as pl
from jax.experimental.pallas import tpu as pltpu
from jax.experimental.pallas import tpu_sc as plsc

_B, _F, _L, _V, _D = 4096, 26, 20, 100000, 32
_N = _B * _F
_NW = 32
_BATCH_PER_W = _B // _NW
_CB = 2
_CHUNKS = _BATCH_PER_W // _CB
_SEG = _CB * _F
_IDX_PER_CHUNK = _SEG * _L
_NCHUNK_ROWS = _B * _F * _L // _IDX_PER_CHUNK
_GATHER_W = 80
_NGATHER = _IDX_PER_CHUNK // _GATHER_W


def kernel(indices, tables):
    idx = indices.astype(jnp.int32).reshape(_NCHUNK_ROWS, _IDX_PER_CHUNK)
    tab = tables.reshape(_F * _V, _D)
    offv = jnp.asarray(
        (np.arange(_IDX_PER_CHUNK) // _L % _F) * _V, dtype=jnp.int32
    )

    mesh = plsc.VectorSubcoreMesh(core_axis_name="c", subcore_axis_name="s")

    @functools.partial(
        pl.kernel,
        mesh=mesh,
        compiler_params=pltpu.CompilerParams(use_tc_tiling_on_sc=False),
        out_type=jax.ShapeDtypeStruct((_N * _D // 128, 128), jnp.float32),
        scratch_types=[
            pltpu.VMEM((_IDX_PER_CHUNK,), jnp.int32),
            pltpu.VMEM((_IDX_PER_CHUNK,), jnp.int32),
            pltpu.VMEM((_IDX_PER_CHUNK,), jnp.int32),
            pltpu.VMEM((_IDX_PER_CHUNK, _D), jnp.float32),
            pltpu.VMEM((_IDX_PER_CHUNK, _D), jnp.float32),
            pltpu.VMEM((_SEG * _D // 128, 128), jnp.float32),
            pltpu.VMEM((_SEG * _D // 128, 128), jnp.float32),
            pltpu.SemaphoreType.DMA,
            pltpu.SemaphoreType.DMA,
        ],
    )
    def sc_kernel(tab_hbm, idx_hbm, off_hbm, out_hbm,
                  offv_v, idx0, idx1, rows0, rows1, out0, out1, sem0, sem1):
        wid = lax.axis_index("s") * 2 + lax.axis_index("c")
        pltpu.sync_copy(off_hbm, offv_v)

        def fire(chunk, idx_v, rows_v, sem):
            crow = wid * _CHUNKS + chunk
            pltpu.sync_copy(idx_hbm.at[crow], idx_v)

            @pl.loop(0, _IDX_PER_CHUNK // 16)
            def _(i):
                sl = pl.ds(i * 16, 16)
                idx_v[sl] = idx_v[sl] + offv_v[sl]

            @pl.loop(0, _NGATHER)
            def _(j):
                sl = pl.ds(j * _GATHER_W, _GATHER_W)
                pltpu.async_copy(tab_hbm.at[idx_v.at[sl]], rows_v.at[sl], sem)

        def drain(idx_v, rows_v, sem):
            @pl.loop(0, _NGATHER)
            def _(j):
                sl = pl.ds(j * _GATHER_W, _GATHER_W)
                pltpu.make_async_copy(
                    tab_hbm.at[idx_v.at[sl]], rows_v.at[sl], sem
                ).wait()

        def acc_store(chunk, rows_v, out_v):
            @pl.loop(0, _SEG)
            def _(r):
                base = r * _L
                orow = lax.shift_right_logical(r, 2)
                ocol = lax.shift_left(lax.bitwise_and(r, 3), 5)
                for c in range(2):
                    csl = pl.ds(c * 16, 16)
                    acc_a = rows_v[base, csl]
                    acc_b = rows_v[base + 1, csl]
                    for l in range(2, _L, 2):
                        acc_a = acc_a + rows_v[base + l, csl]
                        acc_b = acc_b + rows_v[base + l + 1, csl]
                    out_v[orow, pl.ds(ocol + c * 16, 16)] = acc_a + acc_b

            s_base = (wid * _CHUNKS + chunk) * (_SEG * _D // 128)
            pltpu.sync_copy(out_v, out_hbm.at[pl.ds(s_base, _SEG * _D // 128)])

        fire(0, idx0, rows0, sem0)

        @pl.loop(0, _CHUNKS // 2)
        def _(g):
            c0 = 2 * g
            c1 = c0 + 1
            c2 = jnp.where(c0 + 2 >= _CHUNKS, 0, c0 + 2)
            fire(c1, idx1, rows1, sem1)
            drain(idx0, rows0, sem0)
            acc_store(c0, rows0, out0)
            fire(c2, idx0, rows0, sem0)
            drain(idx1, rows1, sem1)
            acc_store(c1, rows1, out1)

        drain(idx0, rows0, sem0)

    return sc_kernel(tab, idx, offv)

# --- scband reference (transcript-rebuilt; emitter-appended) ---
"""Pipeline reference for scband-sparse-10342281249357 (READ-ONLY COPY).

The authoritative reference and input builder live on the scoring server;
editing this copy changes nothing except your own understanding.
"""

import jax, jax.numpy as jnp
import numpy as np

B, F, L, V, D = 4096, 26, 20, 100000, 32

def setup_inputs(seed: int = 0) -> dict:
    key = jax.random.key(seed)
    k1, k2 = jax.random.split(key)
    indices = jax.random.randint(k1, (B, F, L), 0, V)
    tables = jax.random.normal(k2, (F, V, D), dtype=jnp.float32) * 0.01
    return {"indices": indices, "tables": tables}

def reference(indices, tables):
    # EmbeddingBagCollection with SUM pooling over the jagged (here fixed-length L)
    # multi-hot ids per feature. indices: int64[B, F, L]; tables: float32[F, V, D].
    # Output: pooled embeddings [B, F, D], matching output.values().reshape(B, -1, emb_dim).
    def one_table(table, idx):
        # table: [V, D], idx: [B, L] -> gather -> [B, L, D] -> sum-pool -> [B, D]
        return jnp.take(table, idx, axis=0).sum(axis=1)
    out = jax.vmap(one_table, in_axes=(0, 1), out_axes=1)(tables, indices)
    return out  # [B, F, D]

if __name__ == "__main__":
    import jax
    _d = setup_inputs()
    print(jax.jit(kernel)(*tuple(_d.values())))

</pallas_src>

<mosaic_0001>
#map = affine_map<(d0, d1) -> (0, 0)>
#map1 = affine_map<(d0, d1) -> (0)>
module attributes {stable_mosaic.version = 14 : i64} {
  func.func @sc_kernel(%arg0: i32, %arg1: i32, %arg2: memref<2600000x32xf32, #tpu.memory_space<hbm>>, %arg3: memref<2048x1040xi32, #tpu.memory_space<hbm>>, %arg4: memref<1040xi32, #tpu.memory_space<hbm>>, %arg5: memref<26624x128xf32, #tpu.memory_space<hbm>>, %arg6: memref<1040xi32, #tpu.memory_space<vmem>>, %arg7: memref<1040xi32, #tpu.memory_space<vmem>>, %arg8: memref<1040xi32, #tpu.memory_space<vmem>>, %arg9: memref<1040x32xf32, #tpu.memory_space<vmem>>, %arg10: memref<1040x32xf32, #tpu.memory_space<vmem>>, %arg11: memref<13x128xf32, #tpu.memory_space<vmem>>, %arg12: memref<13x128xf32, #tpu.memory_space<vmem>>, %arg13: memref<!tpu.dma_semaphore, #tpu.memory_space<semaphore_mem>>, %arg14: memref<!tpu.dma_semaphore, #tpu.memory_space<semaphore_mem>>) attributes {dimension_semantics = [#tpu.dimension_semantics<core_parallel>, #tpu.dimension_semantics<subcore_parallel>], iteration_bounds = array<i64: 2, 16>, scalar_prefetch = 0 : i64, scratch_operands = 9 : i64, tpu.core_type = #tpu.core_type<sc_vector_subcore>, window_params = [{transform_indices = #map}, {transform_indices = #map}, {transform_indices = #map1}, {transform_indices = #map}]} {
    %mul3A = arith.constant 2 : i32
    %mul3A_0 = arith.muli %arg1, %mul3A : i32
    %add3A = arith.addi %mul3A_0, %arg0 : i32
    "tpu.region"() ({
      %run_scoped3A = tpu.sem_alloc : memref<!tpu.dma_semaphore, #tpu.memory_space<semaphore_mem>>
      tpu.enqueue_dma source(%arg4 : memref<1040xi32, #tpu.memory_space<hbm>>) target(%arg6 : memref<1040xi32, #tpu.memory_space<vmem>>) target_semaphore(%run_scoped3A : memref<!tpu.dma_semaphore, #tpu.memory_space<semaphore_mem>>)
      tpu.wait_dma2 semaphore(%run_scoped3A : memref<!tpu.dma_semaphore, #tpu.memory_space<semaphore_mem>>) src(%arg4 : memref<1040xi32, #tpu.memory_space<hbm>>) dst(%arg6 : memref<1040xi32, #tpu.memory_space<vmem>>)
      tpu.yield
    }) : () -> ()
    %mul3A_1 = arith.constant 64 : i32
    %mul3A_2 = arith.muli %add3A, %mul3A_1 : i32
    %add3A_3 = arith.constant 0 : i32
    %add3A_4 = arith.addi %mul3A_2, %add3A_3 : i32
    "tpu.region"() ({
      %run_scoped3A = tpu.sem_alloc : memref<!tpu.dma_semaphore, #tpu.memory_space<semaphore_mem>>
      %dma_start3A = arith.constant 0 : i32
      %dma_start3A_24 = tpu.memref_slice %arg3[%add3A_4, %dma_start3A] : memref<2048x1040xi32, #tpu.memory_space<hbm>> -> memref<1x1040xi32, #tpu.memory_space<hbm>>
      %dma_start3A_25 = tpu.memref_squeeze %dma_start3A_24 : memref<1x1040xi32, #tpu.memory_space<hbm>> -> memref<1040xi32, #tpu.memory_space<hbm>>
      %dma_start3A_26 = arith.constant 0 : i32
      %dma_start3A_27 = tpu.memref_slice %arg3[%add3A_4, %dma_start3A_26] : memref<2048x1040xi32, #tpu.memory_space<hbm>> -> memref<1x1040xi32, #tpu.memory_space<hbm>>
      %dma_start3A_28 = tpu.memref_squeeze %dma_start3A_27 : memref<1x1040xi32, #tpu.memory_space<hbm>> -> memref<1040xi32, #tpu.memory_space<hbm>>
      tpu.enqueue_dma source(%dma_start3A_28 : memref<1040xi32, #tpu.memory_space<hbm>>) target(%arg7 : memref<1040xi32, #tpu.memory_space<vmem>>) target_semaphore(%run_scoped3A : memref<!tpu.dma_semaphore, #tpu.memory_space<semaphore_mem>>)
      %dma_wait3A = arith.constant 0 : i32
      %dma_wait3A_29 = tpu.memref_slice %arg3[%add3A_4, %dma_wait3A] : memref<2048x1040xi32, #tpu.memory_space<hbm>> -> memref<1x1040xi32, #tpu.memory_space<hbm>>
      %dma_wait3A_30 = tpu.memref_squeeze %dma_wait3A_29 : memref<1x1040xi32, #tpu.memory_space<hbm>> -> memref<1040xi32, #tpu.memory_space<hbm>>
      %dma_wait3A_31 = arith.constant 0 : i32
      %dma_wait3A_32 = tpu.memref_slice %arg3[%add3A_4, %dma_wait3A_31] : memref<2048x1040xi32, #tpu.memory_space<hbm>> -> memref<1x1040xi32, #tpu.memory_space<hbm>>
      %dma_wait3A_33 = tpu.memref_squeeze %dma_wait3A_32 : memref<1x1040xi32, #tpu.memory_space<hbm>> -> memref<1040xi32, #tpu.memory_space<hbm>>
      tpu.wait_dma2 semaphore(%run_scoped3A : memref<!tpu.dma_semaphore, #tpu.memory_space<semaphore_mem>>) src(%dma_wait3A_33 : memref<1040xi32, #tpu.memory_space<hbm>>) dst(%arg7 : memref<1040xi32, #tpu.memory_space<vmem>>)
      tpu.yield
    }) : () -> ()
    %scan3A = arith.constant 0 : i32
    %scan3A_5 = arith.constant 65 : i32
    %scan3A_6 = arith.addi %scan3A, %scan3A_5 : i32
    %scan3A_7 = arith.constant 1 : i32
    scf.for %scan3A_24 = %scan3A to %scan3A_6 step %scan3A_7  : i32 {
      %mul3A_25 = arith.constant 1 : i32
      %mul3A_26 = arith.muli %scan3A_24, %mul3A_25 : i32
      %add3A_27 = arith.constant 0 : i32
      %add3A_28 = arith.addi %add3A_27, %mul3A_26 : i32
      %mul3A_29 = arith.constant 16 : i32
      %mul3A_30 = arith.muli %add3A_28, %mul3A_29 : i32
      %get3A = arith.index_cast %mul3A_30 : i32 to index
      %get3A_31 = tpu.vector_load %arg7[%get3A] {strides = array<i32>} : memref<1040xi32, #tpu.memory_space<vmem>>, vector<16xi32>,
      %get3A_32 = vector.shape_cast %get3A_31 : vector<16xi32> to vector<16xi32>
      %get3A_33 = arith.index_cast %mul3A_30 : i32 to index
      %get3A_34 = tpu.vector_load %arg6[%get3A_33] {strides = array<i32>} : memref<1040xi32, #tpu.memory_space<vmem>>, vector<16xi32>,
      %get3A_35 = vector.shape_cast %get3A_34 : vector<16xi32> to vector<16xi32>
      %add3A_36 = arith.addi %get3A_32, %get3A_35 : vector<16xi32>
      %swap3A = arith.index_cast %mul3A_30 : i32 to index
      %swap3A_37 = tpu.vector_load %arg7[%swap3A] {strides = array<i32>} : memref<1040xi32, #tpu.memory_space<vmem>>, vector<16xi32>,
      %swap3A_38 = vector.shape_cast %swap3A_37 : vector<16xi32> to vector<16xi32>
      %swap3A_39 = vector.shape_cast %add3A_36 : vector<16xi32> to vector<16xi32>
      tpu.vector_store %arg7[%swap3A], %swap3A_39 {strides = array<i32>} : memref<1040xi32, #tpu.memory_space<vmem>>, vector<16xi32>,
    }
    %scan3A_8 = arith.constant 65 : i32
    %scan3A_9 = arith.constant 0 : i32
    %scan3A_10 = arith.constant 13 : i32
    %scan3A_11 = arith.addi %scan3A_9, %scan3A_10 : i32
    %scan3A_12 = arith.constant 1 : i32
    scf.for %scan3A_24 = %scan3A_9 to %scan3A_11 step %scan3A_12  : i32 {
      %mul3A_25 = arith.constant 1 : i32
      %mul3A_26 = arith.muli %scan3A_24, %mul3A_25 : i32
      %add3A_27 = arith.constant 0 : i32
      %add3A_28 = arith.addi %add3A_27, %mul3A_26 : i32
      %mul3A_29 = arith.constant 80 : i32
      %mul3A_30 = arith.muli %add3A_28, %mul3A_29 : i32
      %dma_start3A = arith.constant 0 : i32
      %dma_start3A_31 = tpu.memref_slice %arg9[%mul3A_30, %dma_start3A] : memref<1040x32xf32, #tpu.memory_space<vmem>> -> memref<80x32xf32, #tpu.memory_space<vmem>>
      %dma_start3A_32 = tpu.memref_slice %arg7[%mul3A_30] : memref<1040xi32, #tpu.memory_space<vmem>> -> memref<80xi32, #tpu.memory_space<vmem>>
      %dma_start3A_33 = arith.constant 0 : i32
      %dma_start3A_34 = arith.constant 0 : i32
      %dma_start3A_35 = tpu.memref_slice %arg2[%dma_start3A_33, %dma_start3A_34] : memref<2600000x32xf32, #tpu.memory_space<hbm>> -> memref<2600000x32xf32, #tpu.memory_space<hbm>>
      tpu.enqueue_indirect_dma source(%dma_start3A_35 : memref<2600000x32xf32, #tpu.memory_space<hbm>>) target(%dma_start3A_31 : memref<80x32xf32, #tpu.memory_space<vmem>>) offsets(%dma_start3A_32 : memref<80xi32, #tpu.memory_space<vmem>>) semaphore(%arg13 : memref<!tpu.dma_semaphore, #tpu.memory_space<semaphore_mem>>)
    }
    %scan3A_13 = arith.constant 13 : i32
    %scan3A_14 = arith.constant 0 : i32
    %scan3A_15 = arith.constant 32 : i32
    %scan3A_16 = arith.addi %scan3A_14, %scan3A_15 : i32
    %scan3A_17 = arith.constant 1 : i32
    scf.for %scan3A_24 = %scan3A_14 to %scan3A_16 step %scan3A_17  : i32 {
      %mul3A_25 = arith.constant 1 : i32
      %mul3A_26 = arith.muli %scan3A_24, %mul3A_25 : i32
      %add3A_27 = arith.constant 0 : i32
      %add3A_28 = arith.addi %add3A_27, %mul3A_26 : i32
      %mul3A_29 = arith.constant 2 : i32
      %mul3A_30 = arith.muli %mul3A_29, %add3A_28 : i32
      %add3A_31 = arith.constant 1 : i32
      %add3A_32 = arith.addi %mul3A_30, %add3A_31 : i32
      %add3A_33 = arith.constant 2 : i32
      %add3A_34 = arith.addi %mul3A_30, %add3A_33 : i32
      %ge3A = arith.constant 64 : i32
      %ge3A_35 = arith.cmpi sge, %add3A_34, %ge3A : i32
      %add3A_36 = arith.constant 2 : i32
      %add3A_37 = arith.addi %mul3A_30, %add3A_36 : i32
      %jit3A = arith.constant 0 : i32
      %select_n3A = arith.select %ge3A_35, %jit3A, %add3A_37 : i32
      %mul3A_38 = arith.constant 64 : i32
      %mul3A_39 = arith.muli %add3A, %mul3A_38 : i32
      %add3A_40 = arith.addi %mul3A_39, %add3A_32 : i32
      "tpu.region"() ({
        %run_scoped3A = tpu.sem_alloc : memref<!tpu.dma_semaphore, #tpu.memory_space<semaphore_mem>>
        %dma_start3A = arith.constant 0 : i32
        %dma_start3A_94 = tpu.memref_slice %arg3[%add3A_40, %dma_start3A] : memref<2048x1040xi32, #tpu.memory_space<hbm>> -> memref<1x1040xi32, #tpu.memory_space<hbm>>
        %dma_start3A_95 = tpu.memref_squeeze %dma_start3A_94 : memref<1x1040xi32, #tpu.memory_space<hbm>> -> memref<1040xi32, #tpu.memory_space<hbm>>
        %dma_start3A_96 = arith.constant 0 : i32
        %dma_start3A_97 = tpu.memref_slice %arg3[%add3A_40, %dma_start3A_96] : memref<2048x1040xi32, #tpu.memory_space<hbm>> -> memref<1x1040xi32, #tpu.memory_space<hbm>>
        %dma_start3A_98 = tpu.memref_squeeze %dma_start3A_97 : memref<1x1040xi32, #tpu.memory_space<hbm>> -> memref<1040xi32, #tpu.memory_space<hbm>>
        tpu.enqueue_dma source(%dma_start3A_98 : memref<1040xi32, #tpu.memory_space<hbm>>) target(%arg8 : memref<1040xi32, #tpu.memory_space<vmem>>) target_semaphore(%run_scoped3A : memref<!tpu.dma_semaphore, #tpu.memory_space<semaphore_mem>>)
        %dma_wait3A = arith.constant 0 : i32
        %dma_wait3A_99 = tpu.memref_slice %arg3[%add3A_40, %dma_wait3A] : memref<2048x1040xi32, #tpu.memory_space<hbm>> -> memref<1x1040xi32, #tpu.memory_space<hbm>>
        %dma_wait3A_100 = tpu.memref_squeeze %dma_wait3A_99 : memref<1x1040xi32, #tpu.memory_space<hbm>> -> memref<1040xi32, #tpu.memory_space<hbm>>
        %dma_wait3A_101 = arith.constant 0 : i32
        %dma_wait3A_102 = tpu.memref_slice %arg3[%add3A_40, %dma_wait3A_101] : memref<2048x1040xi32, #tpu.memory_space<hbm>> -> memref<1x1040xi32, #tpu.memory_space<hbm>>
        %dma_wait3A_103 = tpu.memref_squeeze %dma_wait3A_102 : memref<1x1040xi32, #tpu.memory_space<hbm>> -> memref<1040xi32, #tpu.memory_space<hbm>>
        tpu.wait_dma2 semaphore(%run_scoped3A : memref<!tpu.dma_semaphore, #tpu.memory_space<semaphore_mem>>) src(%dma_wait3A_103 : memref<1040xi32, #tpu.memory_space<hbm>>) dst(%arg8 : memref<1040xi32, #tpu.memory_space<vmem>>)
        tpu.yield
      }) : () -> ()
      %scan3A_41 = arith.constant 0 : i32
      %scan3A_42 = arith.constant 65 : i32
      %scan3A_43 = arith.addi %scan3A_41, %scan3A_42 : i32
      %scan3A_44 = arith.constant 1 : i32
      scf.for %scan3A_94 = %scan3A_41 to %scan3A_43 step %scan3A_44  : i32 {
        %mul3A_95 = arith.constant 1 : i32
        %mul3A_96 = arith.muli %scan3A_94, %mul3A_95 : i32
        %add3A_97 = arith.constant 0 : i32
        %add3A_98 = arith.addi %add3A_97, %mul3A_96 : i32
        %mul3A_99 = arith.constant 16 : i32
        %mul3A_100 = arith.muli %add3A_98, %mul3A_99 : i32
        %get3A = arith.index_cast %mul3A_100 : i32 to index
        %get3A_101 = tpu.vector_load %arg8[%get3A] {strides = array<i32>} : memref<1040xi32, #tpu.memory_space<vmem>>, vector<16xi32>,
        %get3A_102 = vector.shape_cast %get3A_101 : vector<16xi32> to vector<16xi32>
        %get3A_103 = arith.index_cast %mul3A_100 : i32 to index
        %get3A_104 = tpu.vector_load %arg6[%get3A_103] {strides = array<i32>} : memref<1040xi32, #tpu.memory_space<vmem>>, vector<16xi32>,
        %get3A_105 = vector.shape_cast %get3A_104 : vector<16xi32> to vector<16xi32>
        %add3A_106 = arith.addi %get3A_102, %get3A_105 : vector<16xi32>
        %swap3A = arith.index_cast %mul3A_100 : i32 to index
        %swap3A_107 = tpu.vector_load %arg8[%swap3A] {strides = array<i32>} : memref<1040xi32, #tpu.memory_space<vmem>>, vector<16xi32>,
        %swap3A_108 = vector.shape_cast %swap3A_107 : vector<16xi32> to vector<16xi32>
        %swap3A_109 = vector.shape_cast %add3A_106 : vector<16xi32> to vector<16xi32>
        tpu.vector_store %arg8[%swap3A], %swap3A_109 {strides = array<i32>} : memref<1040xi32, #tpu.memory_space<vmem>>, vector<16xi32>,
      }
      %scan3A_45 = arith.constant 65 : i32
      %scan3A_46 = arith.constant 0 : i32
      %scan3A_47 = arith.constant 13 : i32
      %scan3A_48 = arith.addi %scan3A_46, %scan3A_47 : i32
      %scan3A_49 = arith.constant 1 : i32
      scf.for %scan3A_94 = %scan3A_46 to %scan3A_48 step %scan3A_49  : i32 {
        %mul3A_95 = arith.constant 1 : i32
        %mul3A_96 = arith.muli %scan3A_94, %mul3A_95 : i32
        %add3A_97 = arith.constant 0 : i32
        %add3A_98 = arith.addi %add3A_97, %mul3A_96 : i32
        %mul3A_99 = arith.constant 80 : i32
        %mul3A_100 = arith.muli %add3A_98, %mul3A_99 : i32
        %dma_start3A = arith.constant 0 : i32
        %dma_start3A_101 = tpu.memref_slice %arg10[%mul3A_100, %dma_start3A] : memref<1040x32xf32, #tpu.memory_space<vmem>> -> memref<80x32xf32, #tpu.memory_space<vmem>>
        %dma_start3A_102 = tpu.memref_slice %arg8[%mul3A_100] : memref<1040xi32, #tpu.memory_space<vmem>> -> memref<80xi32, #tpu.memory_space<vmem>>
        %dma_start3A_103 = arith.constant 0 : i32
        %dma_start3A_104 = arith.constant 0 : i32
        %dma_start3A_105 = tpu.memref_slice %arg2[%dma_start3A_103, %dma_start3A_104] : memref<2600000x32xf32, #tpu.memory_space<hbm>> -> memref<2600000x32xf32, #tpu.memory_space<hbm>>
        tpu.enqueue_indirect_dma source(%dma_start3A_105 : memref<2600000x32xf32, #tpu.memory_space<hbm>>) target(%dma_start3A_101 : memref<80x32xf32, #tpu.memory_space<vmem>>) offsets(%dma_start3A_102 : memref<80xi32, #tpu.memory_space<vmem>>) semaphore(%arg14 : memref<!tpu.dma_semaphore, #tpu.memory_space<semaphore_mem>>)
      }
      %scan3A_50 = arith.constant 13 : i32
      %scan3A_51 = arith.constant 0 : i32
      %scan3A_52 = arith.constant 13 : i32
      %scan3A_53 = arith.addi %scan3A_51, %scan3A_52 : i32
      %scan3A_54 = arith.constant 1 : i32
      scf.for %scan3A_94 = %scan3A_51 to %scan3A_53 step %scan3A_54  : i32 {
        %mul3A_95 = arith.constant 1 : i32
        %mul3A_96 = arith.muli %scan3A_94, %mul3A_95 : i32
        %add3A_97 = arith.constant 0 : i32
        %add3A_98 = arith.addi %add3A_97, %mul3A_96 : i32
        %mul3A_99 = arith.constant 80 : i32
        %mul3A_100 = arith.muli %add3A_98, %mul3A_99 : i32
        %dma_wait3A = arith.constant 0 : i32
        %dma_wait3A_101 = tpu.memref_slice %arg9[%mul3A_100, %dma_wait3A] : memref<1040x32xf32, #tpu.memory_space<vmem>> -> memref<80x32xf32, #tpu.memory_space<vmem>>
        %dma_wait3A_102 = tpu.memref_slice %arg7[%mul3A_100] : memref<1040xi32, #tpu.memory_space<vmem>> -> memref<80xi32, #tpu.memory_space<vmem>>
        %dma_wait3A_103 = arith.constant 0 : i32
        %dma_wait3A_104 = arith.constant 0 : i32
        %dma_wait3A_105 = tpu.memref_slice %arg2[%dma_wait3A_103, %dma_wait3A_104] : memref<2600000x32xf32, #tpu.memory_space<hbm>> -> memref<2600000x32xf32, #tpu.memory_space<hbm>>
        tpu.wait_indirect_dma semaphore(%arg13 : memref<!tpu.dma_semaphore, #tpu.memory_space<semaphore_mem>>) src(%dma_wait3A_105 : memref<2600000x32xf32, #tpu.memory_space<hbm>>) dst(%dma_wait3A_101 : memref<80x32xf32, #tpu.memory_space<vmem>>)
      }
      %scan3A_55 = arith.constant 13 : i32
      %scan3A_56 = arith.constant 0 : i32
      %scan3A_57 = arith.constant 52 : i32
      %scan3A_58 = arith.addi %scan3A_56, %scan3A_57 : i32
      %scan3A_59 = arith.constant 1 : i32
      scf.for %scan3A_94 = %scan3A_56 to %scan3A_58 step %scan3A_59  : i32 {
        %mul3A_95 = arith.constant 1 : i32
        %mul3A_96 = arith.muli %scan3A_94, %mul3A_95 : i32
        %add3A_97 = arith.constant 0 : i32
        %add3A_98 = arith.addi %add3A_97, %mul3A_96 : i32
        %mul3A_99 = arith.constant 20 : i32
        %mul3A_100 = arith.muli %add3A_98, %mul3A_99 : i32
        %shift_right_logical3A = arith.constant 2 : i32
        %shift_right_logical3A_101 = arith.shrui %add3A_98, %shift_right_logical3A : i32
        %and3A = arith.constant 3 : i32
        %and3A_102 = arith.andi %add3A_98, %and3A : i32
        %shift_left3A = arith.constant 5 : i32
        %shift_left3A_103 = arith.shli %and3A_102, %shift_left3A : i32
        %get3A = arith.index_cast %mul3A_100 : i32 to index
        %get3A_104 = arith.constant 0 : index
        %get3A_105 = tpu.vector_load %arg9[%get3A, %get3A_104] {strides = array<i32>} : memref<1040x32xf32, #tpu.memory_space<vmem>>, vector<1x16xf32>,
        %get3A_106 = vector.shape_cast %get3A_105 : vector<1x16xf32> to vector<16xf32>
        %add3A_107 = arith.constant 1 : i32
        %add3A_108 = arith.addi %mul3A_100, %add3A_107 : i32
        %get3A_109 = arith.index_cast %add3A_108 : i32 to index
        %get3A_110 = arith.constant 0 : index
        %get3A_111 = tpu.vector_load %arg9[%get3A_109, %get3A_110] {strides = array<i32>} : memref<1040x32xf32, #tpu.memory_space<vmem>>, vector<1x16xf32>,
        %get3A_112 = vector.shape_cast %get3A_111 : vector<1x16xf32> to vector<16xf32>
        %add3A_113 = arith.constant 2 : i32
        %add3A_114 = arith.addi %mul3A_100, %add3A_113 : i32
        %get3A_115 = arith.index_cast %add3A_114 : i32 to index
        %get3A_116 = arith.constant 0 : index
        %get3A_117 = tpu.vector_load %arg9[%get3A_115, %get3A_116] {strides = array<i32>} : memref<1040x32xf32, #tpu.memory_space<vmem>>, vector<1x16xf32>,
        %get3A_118 = vector.shape_cast %get3A_117 : vector<1x16xf32> to vector<16xf32>
        %add3A_119 = arith.addf %get3A_106, %get3A_118 : vector<16xf32>
        %add3A_120 = arith.constant 2 : i32
        %add3A_121 = arith.addi %mul3A_100, %add3A_120 : i32
        %add3A_122 = arith.constant 1 : i32
        %add3A_123 = arith.addi %add3A_121, %add3A_122 : i32
        %get3A_124 = arith.index_cast %add3A_123 : i32 to index
        %get3A_125 = arith.constant 0 : index
        %get3A_126 = tpu.vector_load %arg9[%get3A_124, %get3A_125] {strides = array<i32>} : memref<1040x32xf32, #tpu.memory_space<vmem>>, vector<1x16xf32>,
        %get3A_127 = vector.shape_cast %get3A_126 : vector<1x16xf32> to vector<16xf32>
        %add3A_128 = arith.addf %get3A_112, %get3A_127 : vector<16xf32>
        %add3A_129 = arith.constant 4 : i32
        %add3A_130 = arith.addi %mul3A_100, %add3A_129 : i32
        %get3A_131 = arith.index_cast %add3A_130 : i32 to index
        %get3A_132 = arith.constant 0 : index
        %get3A_133 = tpu.vector_load %arg9[%get3A_131, %get3A_132] {strides = array<i32>} : memref<1040x32xf32, #tpu.memory_space<vmem>>, vector<1x16xf32>,
        %get3A_134 = vector.shape_cast %get3A_133 : vector<1x16xf32> to vector<16xf32>
        %add3A_135 = arith.addf %add3A_119, %get3A_134 : vector<16xf32>
        %add3A_136 = arith.constant 4 : i32
        %add3A_137 = arith.addi %mul3A_100, %add3A_136 : i32
        %add3A_138 = arith.constant 1 : i32
        %add3A_139 = arith.addi %add3A_137, %add3A_138 : i32
        %get3A_140 = arith.index_cast %add3A_139 : i32 to index
        %get3A_141 = arith.constant 0 : index
        %get3A_142 = tpu.vector_load %arg9[%get3A_140, %get3A_141] {strides = array<i32>} : memref<1040x32xf32, #tpu.memory_space<vmem>>, vector<1x16xf32>,
        %get3A_143 = vector.shape_cast %get3A_142 : vector<1x16xf32> to vector<16xf32>
        %add3A_144 = arith.addf %add3A_128, %get3A_143 : vector<16xf32>
        %add3A_145 = arith.constant 6 : i32
        %add3A_146 = arith.addi %mul3A_100, %add3A_145 : i32
        %get3A_147 = arith.index_cast %add3A_146 : i32 to index
        %get3A_148 = arith.constant 0 : index
        %get3A_149 = tpu.vector_load %arg9[%get3A_147, %get3A_148] {strides = array<i32>} : memref<1040x32xf32, #tpu.memory_space<vmem>>, vector<1x16xf32>,
        %get3A_150 = vector.shape_cast %get3A_149 : vector<1x16xf32> to vector<16xf32>
        %add3A_151 = arith.addf %add3A_135, %get3A_150 : vector<16xf32>
        %add3A_152 = arith.constant 6 : i32
        %add3A_153 = arith.addi %mul3A_100, %add3A_152 : i32
        %add3A_154 = arith.constant 1 : i32
        %add3A_155 = arith.addi %add3A_153, %add3A_154 : i32
        %get3A_156 = arith.index_cast %add3A_155 : i32 to index
        %get3A_157 = arith.constant 0 : index
        %get3A_158 = tpu.vector_load %arg9[%get3A_156, %get3A_157] {strides = array<i32>} : memref<1040x32xf32, #tpu.memory_space<vmem>>, vector<1x16xf32>,
        %get3A_159 = vector.shape_cast %get3A_158 : vector<1x16xf32> to vector<16xf32>
        %add3A_160 = arith.addf %add3A_144, %get3A_159 : vector<16xf32>
        %add3A_161 = arith.constant 8 : i32
        %add3A_162 = arith.addi %mul3A_100, %add3A_161 : i32
        %get3A_163 = arith.index_cast %add3A_162 : i32 to index
        %get3A_164 = arith.constant 0 : index
        %get3A_165 = tpu.vector_load %arg9[%get3A_163, %get3A_164] {strides = array<i32>} : memref<1040x32xf32, #tpu.memory_space<vmem>>, vector<1x16xf32>,
        %get3A_166 = vector.shape_cast %get3A_165 : vector<1x16xf32> to vector<16xf32>
        %add3A_167 = arith.addf %add3A_151, %get3A_166 : vector<16xf32>
        %add3A_168 = arith.constant 8 : i32
        %add3A_169 = arith.addi %mul3A_100, %add3A_168 : i32
        %add3A_170 = arith.constant 1 : i32
        %add3A_171 = arith.addi %add3A_169, %add3A_170 : i32
        %get3A_172 = arith.index_cast %add3A_171 : i32 to index
        %get3A_173 = arith.constant 0 : index
        %get3A_174 = tpu.vector_load %arg9[%get3A_172, %get3A_173] {strides = array<i32>} : memref<1040x32xf32, #tpu.memory_space<vmem>>, vector<1x16xf32>,
        %get3A_175 = vector.shape_cast %get3A_174 : vector<1x16xf32> to vector<16xf32>
        %add3A_176 = arith.addf %add3A_160, %get3A_175 : vector<16xf32>
        %add3A_177 = arith.constant 10 : i32
        %add3A_178 = arith.addi %mul3A_100, %add3A_177 : i32
        %get3A_179 = arith.index_cast %add3A_178 : i32 to index
        %get3A_180 = arith.constant 0 : index
        %get3A_181 = tpu.vector_load %arg9[%get3A_179, %get3A_180] {strides = array<i32>} : memref<1040x32xf32, #tpu.memory_space<vmem>>, vector<1x16xf32>,
        %get3A_182 = vector.shape_cast %get3A_181 : vector<1x16xf32> to vector<16xf32>
        %add3A_183 = arith.addf %add3A_167, %get3A_182 : vector<16xf32>
        %add3A_184 = arith.constant 10 : i32
        %add3A_185 = arith.addi %mul3A_100, %add3A_184 : i32
        %add3A_186 = arith.constant 1 : i32
        %add3A_187 = arith.addi %add3A_185, %add3A_186 : i32
        %get3A_188 = arith.index_cast %add3A_187 : i32 to index
        %get3A_189 = arith.constant 0 : index
        %get3A_190 = tpu.vector_load %arg9[%get3A_188, %get3A_189] {strides = array<i32>} : memref<1040x32xf32, #tpu.memory_space<vmem>>, vector<1x16xf32>,
        %get3A_191 = vector.shape_cast %get3A_190 : vector<1x16xf32> to vector<16xf32>
        %add3A_192 = arith.addf %add3A_176, %get3A_191 : vector<16xf32>
        %add3A_193 = arith.constant 12 : i32
        %add3A_194 = arith.addi %mul3A_100, %add3A_193 : i32
        %get3A_195 = arith.index_cast %add3A_194 : i32 to index
        %get3A_196 = arith.constant 0 : index
        %get3A_197 = tpu.vector_load %arg9[%get3A_195, %get3A_196] {strides = array<i32>} : memref<1040x32xf32, #tpu.memory_space<vmem>>, vector<1x16xf32>,
        %get3A_198 = vector.shape_cast %get3A_197 : vector<1x16xf32> to vector<16xf32>
        %add3A_199 = arith.addf %add3A_183, %get3A_198 : vector<16xf32>
        %add3A_200 = arith.constant 12 : i32
        %add3A_201 = arith.addi %mul3A_100, %add3A_200 : i32
        %add3A_202 = arith.constant 1 : i32
        %add3A_203 = arith.addi %add3A_201, %add3A_202 : i32
        %get3A_204 = arith.index_cast %add3A_203 : i32 to index
        %get3A_205 = arith.constant 0 : index
        %get3A_206 = tpu.vector_load %arg9[%get3A_204, %get3A_205] {strides = array<i32>} : memref<1040x32xf32, #tpu.memory_space<vmem>>, vector<1x16xf32>,
        %get3A_207 = vector.shape_cast %get3A_206 : vector<1x16xf32> to vector<16xf32>
        %add3A_208 = arith.addf %add3A_192, %get3A_207 : vector<16xf32>
        %add3A_209 = arith.constant 14 : i32
        %add3A_210 = arith.addi %mul3A_100, %add3A_209 : i32
        %get3A_211 = arith.index_cast %add3A_210 : i32 to index
        %get3A_212 = arith.constant 0 : index
        %get3A_213 = tpu.vector_load %arg9[%get3A_211, %get3A_212] {strides = array<i32>} : memref<1040x32xf32, #tpu.memory_space<vmem>>, vector<1x16xf32>,
        %get3A_214 = vector.shape_cast %get3A_213 : vector<1x16xf32> to vector<16xf32>
        %add3A_215 = arith.addf %add3A_199, %get3A_214 : vector<16xf32>
        %add3A_216 = arith.constant 14 : i32
        %add3A_217 = arith.addi %mul3A_100, %add3A_216 : i32
        %add3A_218 = arith.constant 1 : i32
        %add3A_219 = arith.addi %add3A_217, %add3A_218 : i32
        %get3A_220 = arith.index_cast %add3A_219 : i32 to index
        %get3A_221 = arith.constant 0 : index
        %get3A_222 = tpu.vector_load %arg9[%get3A_220, %get3A_221] {strides = array<i32>} : memref<1040x32xf32, #tpu.memory_space<vmem>>, vector<1x16xf32>,
        %get3A_223 = vector.shape_cast %get3A_222 : vector<1x16xf32> to vector<16xf32>
        %add3A_224 = arith.addf %add3A_208, %get3A_223 : vector<16xf32>
        %add3A_225 = arith.constant 16 : i32
        %add3A_226 = arith.addi %mul3A_100, %add3A_225 : i32
        %get3A_227 = arith.index_cast %add3A_226 : i32 to index
        %get3A_228 = arith.constant 0 : index
        %get3A_229 = tpu.vector_load %arg9[%get3A_227, %get3A_228] {strides = array<i32>} : memref<1040x32xf32, #tpu.memory_space<vmem>>, vector<1x16xf32>,
        %get3A_230 = vector.shape_cast %get3A_229 : vector<1x16xf32> to vector<16xf32>
        %add3A_231 = arith.addf %add3A_215, %get3A_230 : vector<16xf32>
        %add3A_232 = arith.constant 16 : i32
        %add3A_233 = arith.addi %mul3A_100, %add3A_232 : i32
        %add3A_234 = arith.constant 1 : i32
        %add3A_235 = arith.addi %add3A_233, %add3A_234 : i32
        %get3A_236 = arith.index_cast %add3A_235 : i32 to index
        %get3A_237 = arith.constant 0 : index
        %get3A_238 = tpu.vector_load %arg9[%get3A_236, %get3A_237] {strides = array<i32>} : memref<1040x32xf32, #tpu.memory_space<vmem>>, vector<1x16xf32>,
        %get3A_239 = vector.shape_cast %get3A_238 : vector<1x16xf32> to vector<16xf32>
        %add3A_240 = arith.addf %add3A_224, %get3A_239 : vector<16xf32>
        %add3A_241 = arith.constant 18 : i32
        %add3A_242 = arith.addi %mul3A_100, %add3A_241 : i32
        %get3A_243 = arith.index_cast %add3A_242 : i32 to index
        %get3A_244 = arith.constant 0 : index
        %get3A_245 = tpu.vector_load %arg9[%get3A_243, %get3A_244] {strides = array<i32>} : memref<1040x32xf32, #tpu.memory_space<vmem>>, vector<1x16xf32>,
        %get3A_246 = vector.shape_cast %get3A_245 : vector<1x16xf32> to vector<16xf32>
        %add3A_247 = arith.addf %add3A_231, %get3A_246 : vector<16xf32>
        %add3A_248 = arith.constant 18 : i32
        %add3A_249 = arith.addi %mul3A_100, %add3A_248 : i32
        %add3A_250 = arith.constant 1 : i32
        %add3A_251 = arith.addi %add3A_249, %add3A_250 : i32
        %get3A_252 = arith.index_cast %add3A_251 : i32 to index
        %get3A_253 = arith.constant 0 : index
        %get3A_254 = tpu.vector_load %arg9[%get3A_252, %get3A_253] {strides = array<i32>} : memref<1040x32xf32, #tpu.memory_space<vmem>>, vector<1x16xf32>,
        %get3A_255 = vector.shape_cast %get3A_254 : vector<1x16xf32> to vector<16xf32>
        %add3A_256 = arith.addf %add3A_240, %get3A_255 : vector<16xf32>
        %add3A_257 = arith.addf %add3A_247, %add3A_256 : vector<16xf32>
        %add3A_258 = arith.constant 0 : i32
        %add3A_259 = arith.addi %shift_left3A_103, %add3A_258 : i32
        %swap3A = arith.index_cast %shift_right_logical3A_101 : i32 to index
        %swap3A_260 = arith.index_cast %add3A_259 : i32 to index
        %swap3A_261 = tpu.vector_load %arg11[%swap3A, %swap3A_260] {strides = array<i32>} : memref<13x128xf32, #tpu.memory_space<vmem>>, vector<1x16xf32>,
        %swap3A_262 = vector.shape_cast %swap3A_261 : vector<1x16xf32> to vector<16xf32>
        %swap3A_263 = vector.shape_cast %add3A_257 : vector<16xf32> to vector<1x16xf32>
        tpu.vector_store %arg11[%swap3A, %swap3A_260], %swap3A_263 {strides = array<i32>} : memref<13x128xf32, #tpu.memory_space<vmem>>, vector<1x16xf32>,
        %get3A_264 = arith.index_cast %mul3A_100 : i32 to index
        %get3A_265 = arith.constant 16 : index
        %get3A_266 = tpu.vector_load %arg9[%get3A_264, %get3A_265] {strides = array<i32>} : memref<1040x32xf32, #tpu.memory_space<vmem>>, vector<1x16xf32>,
        %get3A_267 = vector.shape_cast %get3A_266 : vector<1x16xf32> to vector<16xf32>
        %add3A_268 = arith.constant 1 : i32
        %add3A_269 = arith.addi %mul3A_100, %add3A_268 : i32
        %get3A_270 = arith.index_cast %add3A_269 : i32 to index
        %get3A_271 = arith.constant 16 : index
        %get3A_272 = tpu.vector_load %arg9[%get3A_270, %get3A_271] {strides = array<i32>} : memref<1040x32xf32, #tpu.memory_space<vmem>>, vector<1x16xf32>,
        %get3A_273 = vector.shape_cast %get3A_272 : vector<1x16xf32> to vector<16xf32>
        %add3A_274 = arith.constant 2 : i32
        %add3A_275 = arith.addi %mul3A_100, %add3A_274 : i32
        %get3A_276 = arith.index_cast %add3A_275 : i32 to index
        %get3A_277 = arith.constant 16 : index
        %get3A_278 = tpu.vector_load %arg9[%get3A_276, %get3A_277] {strides = array<i32>} : memref<1040x32xf32, #tpu.memory_space<vmem>>, vector<1x16xf32>,
        %get3A_279 = vector.shape_cast %get3A_278 : vector<1x16xf32> to vector<16xf32>
        %add3A_280 = arith.addf %get3A_267, %get3A_279 : vector<16xf32>
        %add3A_281 = arith.constant 2 : i32
        %add3A_282 = arith.addi %mul3A_100, %add3A_281 : i32
        %add3A_283 = arith.constant 1 : i32
        %add3A_284 = arith.addi %add3A_282, %add3A_283 : i32
        %get3A_285 = arith.index_cast %add3A_284 : i32 to index
        %get3A_286 = arith.constant 16 : index
        %get3A_287 = tpu.vector_load %arg9[%get3A_285, %get3A_286] {strides = array<i32>} : memref<1040x32xf32, #tpu.memory_space<vmem>>, vector<1x16xf32>,
        %get3A_288 = vector.shape_cast %get3A_287 : vector<1x16xf32> to vector<16xf32>
        %add3A_289 = arith.addf %get3A_273, %get3A_288 : vector<16xf32>
        %add3A_290 = arith.constant 4 : i32
        %add3A_291 = arith.addi %mul3A_100, %add3A_290 : i32
        %get3A_292 = arith.index_cast %add3A_291 : i32 to index
        %get3A_293 = arith.constant 16 : index
        %get3A_294 = tpu.vector_load %arg9[%get3A_292, %get3A_293] {strides = array<i32>} : memref<1040x32xf32, #tpu.memory_space<vmem>>, vector<1x16xf32>,
        %get3A_295 = vector.shape_cast %get3A_294 : vector<1x16xf32> to vector<16xf32>
        %add3A_296 = arith.addf %add3A_280, %get3A_295 : vector<16xf32>
        %add3A_297 = arith.constant 4 : i32
        %add3A_298 = arith.addi %mul3A_100, %add3A_297 : i32
        %add3A_299 = arith.constant 1 : i32
        %add3A_300 = arith.addi %add3A_298, %add3A_299 : i32
        %get3A_301 = arith.index_cast %add3A_300 : i32 to index
        %get3A_302 = arith.constant 16 : index
        %get3A_303 = tpu.vector_load %arg9[%get3A_301, %get3A_302] {strides = array<i32>} : memref<1040x32xf32, #tpu.memory_space<vmem>>, vector<1x16xf32>,
        %get3A_304 = vector.shape_cast %get3A_303 : vector<1x16xf32> to vector<16xf32>
        %add3A_305 = arith.addf %add3A_289, %get3A_304 : vector<16xf32>
        %add3A_306 = arith.constant 6 : i32
        %add3A_307 = arith.addi %mul3A_100, %add3A_306 : i32
        %get3A_308 = arith.index_cast %add3A_307 : i32 to index
        %get3A_309 = arith.constant 16 : index
        %get3A_310 = tpu.vector_load %arg9[%get3A_308, %get3A_309] {strides = array<i32>} : memref<1040x32xf32, #tpu.memory_space<vmem>>, vector<1x16xf32>,
        %get3A_311 = vector.shape_cast %get3A_310 : vector<1x16xf32> to vector<16xf32>
        %add3A_312 = arith.addf %add3A_296, %get3A_311 : vector<16xf32>
        %add3A_313 = arith.constant 6 : i32
        %add3A_314 = arith.addi %mul3A_100, %add3A_313 : i32
        %add3A_315 = arith.constant 1 : i32
        %add3A_316 = arith.addi %add3A_314, %add3A_315 : i32
        %get3A_317 = arith.index_cast %add3A_316 : i32 to index
        %get3A_318 = arith.constant 16 : index
        %get3A_319 = tpu.vector_load %arg9[%get3A_317, %get3A_318] {strides = array<i32>} : memref<1040x32xf32, #tpu.memory_space<vmem>>, vector<1x16xf32>,
        %get3A_320 = vector.shape_cast %get3A_319 : vector<1x16xf32> to vector<16xf32>
        %add3A_321 = arith.addf %add3A_305, %get3A_320 : vector<16xf32>
        %add3A_322 = arith.constant 8 : i32
        %add3A_323 = arith.addi %mul3A_100, %add3A_322 : i32
        %get3A_324 = arith.index_cast %add3A_323 : i32 to index
        %get3A_325 = arith.constant 16 : index
        %get3A_326 = tpu.vector_load %arg9[%get3A_324, %get3A_325] {strides = array<i32>} : memref<1040x32xf32, #tpu.memory_space<vmem>>, vector<1x16xf32>,
        %get3A_327 = vector.shape_cast %get3A_326 : vector<1x16xf32> to vector<16xf32>
        %add3A_328 = arith.addf %add3A_312, %get3A_327 : vector<16xf32>
        %add3A_329 = arith.constant 8 : i32
        %add3A_330 = arith.addi %mul3A_100, %add3A_329 : i32
        %add3A_331 = arith.constant 1 : i32
        %add3A_332 = arith.addi %add3A_330, %add3A_331 : i32
        %get3A_333 = arith.index_cast %add3A_332 : i32 to index
        %get3A_334 = arith.constant 16 : index
        %get3A_335 = tpu.vector_load %arg9[%get3A_333, %get3A_334] {strides = array<i32>} : memref<1040x32xf32, #tpu.memory_space<vmem>>, vector<1x16xf32>,
        %get3A_336 = vector.shape_cast %get3A_335 : vector<1x16xf32> to vector<16xf32>
        %add3A_337 = arith.addf %add3A_321, %get3A_336 : vector<16xf32>
        %add3A_338 = arith.constant 10 : i32
        %add3A_339 = arith.addi %mul3A_100, %add3A_338 : i32
        %get3A_340 = arith.index_cast %add3A_339 : i32 to index
        %get3A_341 = arith.constant 16 : index
        %get3A_342 = tpu.vector_load %arg9[%get3A_340, %get3A_341] {strides = array<i32>} : memref<1040x32xf32, #tpu.memory_space<vmem>>, vector<1x16xf32>,
        %get3A_343 = vector.shape_cast %get3A_342 : vector<1x16xf32> to vector<16xf32>
        %add3A_344 = arith.addf %add3A_328, %get3A_343 : vector<16xf32>
        %add3A_345 = arith.constant 10 : i32
        %add3A_346 = arith.addi %mul3A_100, %add3A_345 : i32
        %add3A_347 = arith.constant 1 : i32
        %add3A_348 = arith.addi %add3A_346, %add3A_347 : i32
        %get3A_349 = arith.index_cast %add3A_348 : i32 to index
        %get3A_350 = arith.constant 16 : index
        %get3A_351 = tpu.vector_load %arg9[%get3A_349, %get3A_350] {strides = array<i32>} : memref<1040x32xf32, #tpu.memory_space<vmem>>, vector<1x16xf32>,
        %get3A_352 = vector.shape_cast %get3A_351 : vector<1x16xf32> to vector<16xf32>
        %add3A_353 = arith.addf %add3A_337, %get3A_352 : vector<16xf32>
        %add3A_354 = arith.constant 12 : i32
        %add3A_355 = arith.addi %mul3A_100, %add3A_354 : i32
        %get3A_356 = arith.index_cast %add3A_355 : i32 to index
        %get3A_357 = arith.constant 16 : index
        %get3A_358 = tpu.vector_load %arg9[%get3A_356, %get3A_357] {strides = array<i32>} : memref<1040x32xf32, #tpu.memory_space<vmem>>, vector<1x16xf32>,
        %get3A_359 = vector.shape_cast %get3A_358 : vector<1x16xf32> to vector<16xf32>
        %add3A_360 = arith.addf %add3A_344, %get3A_359 : vector<16xf32>
        %add3A_361 = arith.constant 12 : i32
        %add3A_362 = arith.addi %mul3A_100, %add3A_361 : i32
        %add3A_363 = arith.constant 1 : i32
        %add3A_364 = arith.addi %add3A_362, %add3A_363 : i32
        %get3A_365 = arith.index_cast %add3A_364 : i32 to index
        %get3A_366 = arith.constant 16 : index
        %get3A_367 = tpu.vector_load %arg9[%get3A_365, %get3A_366] {strides = array<i32>} : memref<1040x32xf32, #tpu.memory_space<vmem>>, vector<1x16xf32>,
        %get3A_368 = vector.shape_cast %get3A_367 : vector<1x16xf32> to vector<16xf32>
        %add3A_369 = arith.addf %add3A_353, %get3A_368 : vector<16xf32>
        %add3A_370 = arith.constant 14 : i32
        %add3A_371 = arith.addi %mul3A_100, %add3A_370 : i32
        %get3A_372 = arith.index_cast %add3A_371 : i32 to index
        %get3A_373 = arith.constant 16 : index
        %get3A_374 = tpu.vector_load %arg9[%get3A_372, %get3A_373] {strides = array<i32>} : memref<1040x32xf32, #tpu.memory_space<vmem>>, vector<1x16xf32>,
        %get3A_375 = vector.shape_cast %get3A_374 : vector<1x16xf32> to vector<16xf32>
        %add3A_376 = arith.addf %add3A_360, %get3A_375 : vector<16xf32>
        %add3A_377 = arith.constant 14 : i32
        %add3A_378 = arith.addi %mul3A_100, %add3A_377 : i32
        %add3A_379 = arith.constant 1 : i32
        %add3A_380 = arith.addi %add3A_378, %add3A_379 : i32
        %get3A_381 = arith.index_cast %add3A_380 : i32 to index
        %get3A_382 = arith.constant 16 : index
        %get3A_383 = tpu.vector_load %arg9[%get3A_381, %get3A_382] {strides = array<i32>} : memref<1040x32xf32, #tpu.memory_space<vmem>>, vector<1x16xf32>,
        %get3A_384 = vector.shape_cast %get3A_383 : vector<1x16xf32> to vector<16xf32>
        %add3A_385 = arith.addf %add3A_369, %get3A_384 : vector<16xf32>
        %add3A_386 = arith.constant 16 : i32
        %add3A_387 = arith.addi %mul3A_100, %add3A_386 : i32
        %get3A_388 = arith.index_cast %add3A_387 : i32 to index
        %get3A_389 = arith.constant 16 : index
        %get3A_390 = tpu.vector_load %arg9[%get3A_388, %get3A_389] {strides = array<i32>} : memref<1040x32xf32, #tpu.memory_space<vmem>>, vector<1x16xf32>,
        %get3A_391 = vector.shape_cast %get3A_390 : vector<1x16xf32> to vector<16xf32>
        %add3A_392 = arith.addf %add3A_376, %get3A_391 : vector<16xf32>
        %add3A_393 = arith.constant 16 : i32
        %add3A_394 = arith.addi %mul3A_100, %add3A_393 : i32
        %add3A_395 = arith.constant 1 : i32
        %add3A_396 = arith.addi %add3A_394, %add3A_395 : i32
        %get3A_397 = arith.index_cast %add3A_396 : i32 to index
        %get3A_398 = arith.constant 16 : index
        %get3A_399 = tpu.vector_load %arg9[%get3A_397, %get3A_398] {strides = array<i32>} : memref<1040x32xf32, #tpu.memory_space<vmem>>, vector<1x16xf32>,
        %get3A_400 = vector.shape_cast %get3A_399 : vector<1x16xf32> to vector<16xf32>
        %add3A_401 = arith.addf %add3A_385, %get3A_400 : vector<16xf32>
        %add3A_402 = arith.constant 18 : i32
        %add3A_403 = arith.addi %mul3A_100, %add3A_402 : i32
        %get3A_404 = arith.index_cast %add3A_403 : i32 to index
        %get3A_405 = arith.constant 16 : index
        %get3A_406 = tpu.vector_load %arg9[%get3A_404, %get3A_405] {strides = array<i32>} : memref<1040x32xf32, #tpu.memory_space<vmem>>, vector<1x16xf32>,
        %get3A_407 = vector.shape_cast %get3A_406 : vector<1x16xf32> to vector<16xf32>
        %add3A_408 = arith.addf %add3A_392, %get3A_407 : vector<16xf32>
        %add3A_409 = arith.constant 18 : i32
        %add3A_410 = arith.addi %mul3A_100, %add3A_409 : i32
        %add3A_411 = arith.constant 1 : i32
        %add3A_412 = arith.addi %add3A_410, %add3A_411 : i32
        %get3A_413 = arith.index_cast %add3A_412 : i32 to index
        %get3A_414 = arith.constant 16 : index
        %get3A_415 = tpu.vector_load %arg9[%get3A_413, %get3A_414] {strides = array<i32>} : memref<1040x32xf32, #tpu.memory_space<vmem>>, vector<1x16xf32>,
        %get3A_416 = vector.shape_cast %get3A_415 : vector<1x16xf32> to vector<16xf32>
        %add3A_417 = arith.addf %add3A_401, %get3A_416 : vector<16xf32>
        %add3A_418 = arith.addf %add3A_408, %add3A_417 : vector<16xf32>
        %add3A_419 = arith.constant 16 : i32
        %add3A_420 = arith.addi %shift_left3A_103, %add3A_419 : i32
        %swap3A_421 = arith.index_cast %shift_right_logical3A_101 : i32 to index
        %swap3A_422 = arith.index_cast %add3A_420 : i32 to index
        %swap3A_423 = tpu.vector_load %arg11[%swap3A_421, %swap3A_422] {strides = array<i32>} : memref<13x128xf32, #tpu.memory_space<vmem>>, vector<1x16xf32>,
        %swap3A_424 = vector.shape_cast %swap3A_423 : vector<1x16xf32> to vector<16xf32>
        %swap3A_425 = vector.shape_cast %add3A_418 : vector<16xf32> to vector<1x16xf32>
        tpu.vector_store %arg11[%swap3A_421, %swap3A_422], %swap3A_425 {strides = array<i32>} : memref<13x128xf32, #tpu.memory_space<vmem>>, vector<1x16xf32>,
      }
      %scan3A_60 = arith.constant 52 : i32
      %mul3A_61 = arith.constant 64 : i32
      %mul3A_62 = arith.muli %add3A, %mul3A_61 : i32
      %add3A_63 = arith.addi %mul3A_62, %mul3A_30 : i32
      %mul3A_64 = arith.constant 13 : i32
      %mul3A_65 = arith.muli %add3A_63, %mul3A_64 : i32
      "tpu.region"() ({
        %run_scoped3A = tpu.sem_alloc : memref<!tpu.dma_semaphore, #tpu.memory_space<semaphore_mem>>
        %dma_start3A = arith.constant 0 : i32
        %dma_start3A_94 = tpu.memref_slice %arg5[%mul3A_65, %dma_start3A] : memref<26624x128xf32, #tpu.memory_space<hbm>> -> memref<13x128xf32, #tpu.memory_space<hbm>>
        %dma_start3A_95 = arith.constant 0 : i32
        %dma_start3A_96 = tpu.memref_slice %arg5[%mul3A_65, %dma_start3A_95] : memref<26624x128xf32, #tpu.memory_space<hbm>> -> memref<13x128xf32, #tpu.memory_space<hbm>>
        tpu.enqueue_dma source(%arg11 : memref<13x128xf32, #tpu.memory_space<vmem>>) target(%dma_start3A_96 : memref<13x128xf32, #tpu.memory_space<hbm>>) target_semaphore(%run_scoped3A : memref<!tpu.dma_semaphore, #tpu.memory_space<semaphore_mem>>)
        %dma_wait3A = arith.constant 0 : i32
        %dma_wait3A_97 = tpu.memref_slice %arg5[%mul3A_65, %dma_wait3A] : memref<26624x128xf32, #tpu.memory_space<hbm>> -> memref<13x128xf32, #tpu.memory_space<hbm>>
        %dma_wait3A_98 = arith.constant 0 : i32
        %dma_wait3A_99 = tpu.memref_slice %arg5[%mul3A_65, %dma_wait3A_98] : memref<26624x128xf32, #tpu.memory_space<hbm>> -> memref<13x128xf32, #tpu.memory_space<hbm>>
        tpu.wait_dma2 semaphore(%run_scoped3A : memref<!tpu.dma_semaphore, #tpu.memory_space<semaphore_mem>>) src(%arg11 : memref<13x128xf32, #tpu.memory_space<vmem>>) dst(%dma_wait3A_99 : memref<13x128xf32, #tpu.memory_space<hbm>>)
        tpu.yield
      }) : () -> ()
      %mul3A_66 = arith.constant 64 : i32
      %mul3A_67 = arith.muli %add3A, %mul3A_66 : i32
      %add3A_68 = arith.addi %mul3A_67, %select_n3A : i32
      "tpu.region"() ({
        %run_scoped3A = tpu.sem_alloc : memref<!tpu.dma_semaphore, #tpu.memory_space<semaphore_mem>>
        %dma_start3A = arith.constant 0 : i32
        %dma_start3A_94 = tpu.memref_slice %arg3[%add3A_68, %dma_start3A] : memref<2048x1040xi32, #tpu.memory_space<hbm>> -> memref<1x1040xi32, #tpu.memory_space<hbm>>
        %dma_start3A_95 = tpu.memref_squeeze %dma_start3A_94 : memref<1x1040xi32, #tpu.memory_space<hbm>> -> memref<1040xi32, #tpu.memory_space<hbm>>
        %dma_start3A_96 = arith.constant 0 : i32
        %dma_start3A_97 = tpu.memref_slice %arg3[%add3A_68, %dma_start3A_96] : memref<2048x1040xi32, #tpu.memory_space<hbm>> -> memref<1x1040xi32, #tpu.memory_space<hbm>>
        %dma_start3A_98 = tpu.memref_squeeze %dma_start3A_97 : memref<1x1040xi32, #tpu.memory_space<hbm>> -> memref<1040xi32, #tpu.memory_space<hbm>>
        tpu.enqueue_dma source(%dma_start3A_98 : memref<1040xi32, #tpu.memory_space<hbm>>) target(%arg7 : memref<1040xi32, #tpu.memory_space<vmem>>) target_semaphore(%run_scoped3A : memref<!tpu.dma_semaphore, #tpu.memory_space<semaphore_mem>>)
        %dma_wait3A = arith.constant 0 : i32
        %dma_wait3A_99 = tpu.memref_slice %arg3[%add3A_68, %dma_wait3A] : memref<2048x1040xi32, #tpu.memory_space<hbm>> -> memref<1x1040xi32, #tpu.memory_space<hbm>>
        %dma_wait3A_100 = tpu.memref_squeeze %dma_wait3A_99 : memref<1x1040xi32, #tpu.memory_space<hbm>> -> memref<1040xi32, #tpu.memory_space<hbm>>
        %dma_wait3A_101 = arith.constant 0 : i32
        %dma_wait3A_102 = tpu.memref_slice %arg3[%add3A_68, %dma_wait3A_101] : memref<2048x1040xi32, #tpu.memory_space<hbm>> -> memref<1x1040xi32, #tpu.memory_space<hbm>>
        %dma_wait3A_103 = tpu.memref_squeeze %dma_wait3A_102 : memref<1x1040xi32, #tpu.memory_space<hbm>> -> memref<1040xi32, #tpu.memory_space<hbm>>
        tpu.wait_dma2 semaphore(%run_scoped3A : memref<!tpu.dma_semaphore, #tpu.memory_space<semaphore_mem>>) src(%dma_wait3A_103 : memref<1040xi32, #tpu.memory_space<hbm>>) dst(%arg7 : memref<1040xi32, #tpu.memory_space<vmem>>)
        tpu.yield
      }) : () -> ()
      %scan3A_69 = arith.constant 0 : i32
      %scan3A_70 = arith.constant 65 : i32
      %scan3A_71 = arith.addi %scan3A_69, %scan3A_70 : i32
      %scan3A_72 = arith.constant 1 : i32
      scf.for %scan3A_94 = %scan3A_69 to %scan3A_71 step %scan3A_72  : i32 {
        %mul3A_95 = arith.constant 1 : i32
        %mul3A_96 = arith.muli %scan3A_94, %mul3A_95 : i32
        %add3A_97 = arith.constant 0 : i32
        %add3A_98 = arith.addi %add3A_97, %mul3A_96 : i32
        %mul3A_99 = arith.constant 16 : i32
        %mul3A_100 = arith.muli %add3A_98, %mul3A_99 : i32
        %get3A = arith.index_cast %mul3A_100 : i32 to index
        %get3A_101 = tpu.vector_load %arg7[%get3A] {strides = array<i32>} : memref<1040xi32, #tpu.memory_space<vmem>>, vector<16xi32>,
        %get3A_102 = vector.shape_cast %get3A_101 : vector<16xi32> to vector<16xi32>
        %get3A_103 = arith.index_cast %mul3A_100 : i32 to index
        %get3A_104 = tpu.vector_load %arg6[%get3A_103] {strides = array<i32>} : memref<1040xi32, #tpu.memory_space<vmem>>, vector<16xi32>,
        %get3A_105 = vector.shape_cast %get3A_104 : vector<16xi32> to vector<16xi32>
        %add3A_106 = arith.addi %get3A_102, %get3A_105 : vector<16xi32>
        %swap3A = arith.index_cast %mul3A_100 : i32 to index
        %swap3A_107 = tpu.vector_load %arg7[%swap3A] {strides = array<i32>} : memref<1040xi32, #tpu.memory_space<vmem>>, vector<16xi32>,
        %swap3A_108 = vector.shape_cast %swap3A_107 : vector<16xi32> to vector<16xi32>
        %swap3A_109 = vector.shape_cast %add3A_106 : vector<16xi32> to vector<16xi32>
        tpu.vector_store %arg7[%swap3A], %swap3A_109 {strides = array<i32>} : memref<1040xi32, #tpu.memory_space<vmem>>, vector<16xi32>,
      }
      %scan3A_73 = arith.constant 65 : i32
      %scan3A_74 = arith.constant 0 : i32
      %scan3A_75 = arith.constant 13 : i32
      %scan3A_76 = arith.addi %scan3A_74, %scan3A_75 : i32
      %scan3A_77 = arith.constant 1 : i32
      scf.for %scan3A_94 = %scan3A_74 to %scan3A_76 step %scan3A_77  : i32 {
        %mul3A_95 = arith.constant 1 : i32
        %mul3A_96 = arith.muli %scan3A_94, %mul3A_95 : i32
        %add3A_97 = arith.constant 0 : i32
        %add3A_98 = arith.addi %add3A_97, %mul3A_96 : i32
        %mul3A_99 = arith.constant 80 : i32
        %mul3A_100 = arith.muli %add3A_98, %mul3A_99 : i32
        %dma_start3A = arith.constant 0 : i32
        %dma_start3A_101 = tpu.memref_slice %arg9[%mul3A_100, %dma_start3A] : memref<1040x32xf32, #tpu.memory_space<vmem>> -> memref<80x32xf32, #tpu.memory_space<vmem>>
        %dma_start3A_102 = tpu.memref_slice %arg7[%mul3A_100] : memref<1040xi32, #tpu.memory_space<vmem>> -> memref<80xi32, #tpu.memory_space<vmem>>
        %dma_start3A_103 = arith.constant 0 : i32
        %dma_start3A_104 = arith.constant 0 : i32
        %dma_start3A_105 = tpu.memref_slice %arg2[%dma_start3A_103, %dma_start3A_104] : memref<2600000x32xf32, #tpu.memory_space<hbm>> -> memref<2600000x32xf32, #tpu.memory_space<hbm>>
        tpu.enqueue_indirect_dma source(%dma_start3A_105 : memref<2600000x32xf32, #tpu.memory_space<hbm>>) target(%dma_start3A_101 : memref<80x32xf32, #tpu.memory_space<vmem>>) offsets(%dma_start3A_102 : memref<80xi32, #tpu.memory_space<vmem>>) semaphore(%arg13 : memref<!tpu.dma_semaphore, #tpu.memory_space<semaphore_mem>>)
      }
      %scan3A_78 = arith.constant 13 : i32
      %scan3A_79 = arith.constant 0 : i32
      %scan3A_80 = arith.constant 13 : i32
      %scan3A_81 = arith.addi %scan3A_79, %scan3A_80 : i32
      %scan3A_82 = arith.constant 1 : i32
      scf.for %scan3A_94 = %scan3A_79 to %scan3A_81 step %scan3A_82  : i32 {
        %mul3A_95 = arith.constant 1 : i32
        %mul3A_96 = arith.muli %scan3A_94, %mul3A_95 : i32
        %add3A_97 = arith.constant 0 : i32
        %add3A_98 = arith.addi %add3A_97, %mul3A_96 : i32
        %mul3A_99 = arith.constant 80 : i32
        %mul3A_100 = arith.muli %add3A_98, %mul3A_99 : i32
        %dma_wait3A = arith.constant 0 : i32
        %dma_wait3A_101 = tpu.memref_slice %arg10[%mul3A_100, %dma_wait3A] : memref<1040x32xf32, #tpu.memory_space<vmem>> -> memref<80x32xf32, #tpu.memory_space<vmem>>
        %dma_wait3A_102 = tpu.memref_slice %arg8[%mul3A_100] : memref<1040xi32, #tpu.memory_space<vmem>> -> memref<80xi32, #tpu.memory_space<vmem>>
        %dma_wait3A_103 = arith.constant 0 : i32
        %dma_wait3A_104 = arith.constant 0 : i32
        %dma_wait3A_105 = tpu.memref_slice %arg2[%dma_wait3A_103, %dma_wait3A_104] : memref<2600000x32xf32, #tpu.memory_space<hbm>> -> memref<2600000x32xf32, #tpu.memory_space<hbm>>
        tpu.wait_indirect_dma semaphore(%arg14 : memref<!tpu.dma_semaphore, #tpu.memory_space<semaphore_mem>>) src(%dma_wait3A_105 : memref<2600000x32xf32, #tpu.memory_space<hbm>>) dst(%dma_wait3A_101 : memref<80x32xf32, #tpu.memory_space<vmem>>)
      }
      %scan3A_83 = arith.constant 13 : i32
      %scan3A_84 = arith.constant 0 : i32
      %scan3A_85 = arith.constant 52 : i32
      %scan3A_86 = arith.addi %scan3A_84, %scan3A_85 : i32
      %scan3A_87 = arith.constant 1 : i32
      scf.for %scan3A_94 = %scan3A_84 to %scan3A_86 step %scan3A_87  : i32 {
        %mul3A_95 = arith.constant 1 : i32
        %mul3A_96 = arith.muli %scan3A_94, %mul3A_95 : i32
        %add3A_97 = arith.constant 0 : i32
        %add3A_98 = arith.addi %add3A_97, %mul3A_96 : i32
        %mul3A_99 = arith.constant 20 : i32
        %mul3A_100 = arith.muli %add3A_98, %mul3A_99 : i32
        %shift_right_logical3A = arith.constant 2 : i32
        %shift_right_logical3A_101 = arith.shrui %add3A_98, %shift_right_logical3A : i32
        %and3A = arith.constant 3 : i32
        %and3A_102 = arith.andi %add3A_98, %and3A : i32
        %shift_left3A = arith.constant 5 : i32
        %shift_left3A_103 = arith.shli %and3A_102, %shift_left3A : i32
        %get3A = arith.index_cast %mul3A_100 : i32 to index
        %get3A_104 = arith.constant 0 : index
        %get3A_105 = tpu.vector_load %arg10[%get3A, %get3A_104] {strides = array<i32>} : memref<1040x32xf32, #tpu.memory_space<vmem>>, vector<1x16xf32>,
        %get3A_106 = vector.shape_cast %get3A_105 : vector<1x16xf32> to vector<16xf32>
        %add3A_107 = arith.constant 1 : i32
        %add3A_108 = arith.addi %mul3A_100, %add3A_107 : i32
        %get3A_109 = arith.index_cast %add3A_108 : i32 to index
        %get3A_110 = arith.constant 0 : index
        %get3A_111 = tpu.vector_load %arg10[%get3A_109, %get3A_110] {strides = array<i32>} : memref<1040x32xf32, #tpu.memory_space<vmem>>, vector<1x16xf32>,
        %get3A_112 = vector.shape_cast %get3A_111 : vector<1x16xf32> to vector<16xf32>
        %add3A_113 = arith.constant 2 : i32
        %add3A_114 = arith.addi %mul3A_100, %add3A_113 : i32
        %get3A_115 = arith.index_cast %add3A_114 : i32 to index
        %get3A_116 = arith.constant 0 : index
        %get3A_117 = tpu.vector_load %arg10[%get3A_115, %get3A_116] {strides = array<i32>} : memref<1040x32xf32, #tpu.memory_space<vmem>>, vector<1x16xf32>,
        %get3A_118 = vector.shape_cast %get3A_117 : vector<1x16xf32> to vector<16xf32>
        %add3A_119 = arith.addf %get3A_106, %get3A_118 : vector<16xf32>
        %add3A_120 = arith.constant 2 : i32
        %add3A_121 = arith.addi %mul3A_100, %add3A_120 : i32
        %add3A_122 = arith.constant 1 : i32
        %add3A_123 = arith.addi %add3A_121, %add3A_122 : i32
        %get3A_124 = arith.index_cast %add3A_123 : i32 to index
        %get3A_125 = arith.constant 0 : index
        %get3A_126 = tpu.vector_load %arg10[%get3A_124, %get3A_125] {strides = array<i32>} : memref<1040x32xf32, #tpu.memory_space<vmem>>, vector<1x16xf32>,
        %get3A_127 = vector.shape_cast %get3A_126 : vector<1x16xf32> to vector<16xf32>
        %add3A_128 = arith.addf %get3A_112, %get3A_127 : vector<16xf32>
        %add3A_129 = arith.constant 4 : i32
        %add3A_130 = arith.addi %mul3A_100, %add3A_129 : i32
        %get3A_131 = arith.index_cast %add3A_130 : i32 to index
        %get3A_132 = arith.constant 0 : index
        %get3A_133 = tpu.vector_load %arg10[%get3A_131, %get3A_132] {strides = array<i32>} : memref<1040x32xf32, #tpu.memory_space<vmem>>, vector<1x16xf32>,
        %get3A_134 = vector.shape_cast %get3A_133 : vector<1x16xf32> to vector<16xf32>
        %add3A_135 = arith.addf %add3A_119, %get3A_134 : vector<16xf32>
        %add3A_136 = arith.constant 4 : i32
        %add3A_137 = arith.addi %mul3A_100, %add3A_136 : i32
        %add3A_138 = arith.constant 1 : i32
        %add3A_139 = arith.addi %add3A_137, %add3A_138 : i32
        %get3A_140 = arith.index_cast %add3A_139 : i32 to index
        %get3A_141 = arith.constant 0 : index
        %get3A_142 = tpu.vector_load %arg10[%get3A_140, %get3A_141] {strides = array<i32>} : memref<1040x32xf32, #tpu.memory_space<vmem>>, vector<1x16xf32>,
        %get3A_143 = vector.shape_cast %get3A_142 : vector<1x16xf32> to vector<16xf32>
        %add3A_144 = arith.addf %add3A_128, %get3A_143 : vector<16xf32>
        %add3A_145 = arith.constant 6 : i32
        %add3A_146 = arith.addi %mul3A_100, %add3A_145 : i32
        %get3A_147 = arith.index_cast %add3A_146 : i32 to index
        %get3A_148 = arith.constant 0 : index
        %get3A_149 = tpu.vector_load %arg10[%get3A_147, %get3A_148] {strides = array<i32>} : memref<1040x32xf32, #tpu.memory_space<vmem>>, vector<1x16xf32>,
        %get3A_150 = vector.shape_cast %get3A_149 : vector<1x16xf32> to vector<16xf32>
        %add3A_151 = arith.addf %add3A_135, %get3A_150 : vector<16xf32>
        %add3A_152 = arith.constant 6 : i32
        %add3A_153 = arith.addi %mul3A_100, %add3A_152 : i32
        %add3A_154 = arith.constant 1 : i32
        %add3A_155 = arith.addi %add3A_153, %add3A_154 : i32
        %get3A_156 = arith.index_cast %add3A_155 : i32 to index
        %get3A_157 = arith.constant 0 : index
        %get3A_158 = tpu.vector_load %arg10[%get3A_156, %get3A_157] {strides = array<i32>} : memref<1040x32xf32, #tpu.memory_space<vmem>>, vector<1x16xf32>,
        %get3A_159 = vector.shape_cast %get3A_158 : vector<1x16xf32> to vector<16xf32>
        %add3A_160 = arith.addf %add3A_144, %get3A_159 : vector<16xf32>
        %add3A_161 = arith.constant 8 : i32
        %add3A_162 = arith.addi %mul3A_100, %add3A_161 : i32
        %get3A_163 = arith.index_cast %add3A_162 : i32 to index
        %get3A_164 = arith.constant 0 : index
        %get3A_165 = tpu.vector_load %arg10[%get3A_163, %get3A_164] {strides = array<i32>} : memref<1040x32xf32, #tpu.memory_space<vmem>>, vector<1x16xf32>,
        %get3A_166 = vector.shape_cast %get3A_165 : vector<1x16xf32> to vector<16xf32>
        %add3A_167 = arith.addf %add3A_151, %get3A_166 : vector<16xf32>
        %add3A_168 = arith.constant 8 : i32
        %add3A_169 = arith.addi %mul3A_100, %add3A_168 : i32
        %add3A_170 = arith.constant 1 : i32
        %add3A_171 = arith.addi %add3A_169, %add3A_170 : i32
        %get3A_172 = arith.index_cast %add3A_171 : i32 to index
        %get3A_173 = arith.constant 0 : index
        %get3A_174 = tpu.vector_load %arg10[%get3A_172, %get3A_173] {strides = array<i32>} : memref<1040x32xf32, #tpu.memory_space<vmem>>, vector<1x16xf32>,
        %get3A_175 = vector.shape_cast %get3A_174 : vector<1x16xf32> to vector<16xf32>
        %add3A_176 = arith.addf %add3A_160, %get3A_175 : vector<16xf32>
        %add3A_177 = arith.constant 10 : i32
        %add3A_178 = arith.addi %mul3A_100, %add3A_177 : i32
        %get3A_179 = arith.index_cast %add3A_178 : i32 to index
        %get3A_180 = arith.constant 0 : index
        %get3A_181 = tpu.vector_load %arg10[%get3A_179, %get3A_180] {strides = array<i32>} : memref<1040x32xf32, #tpu.memory_space<vmem>>, vector<1x16xf32>,
        %get3A_182 = vector.shape_cast %get3A_181 : vector<1x16xf32> to vector<16xf32>
        %add3A_183 = arith.addf %add3A_167, %get3A_182 : vector<16xf32>
        %add3A_184 = arith.constant 10 : i32
        %add3A_185 = arith.addi %mul3A_100, %add3A_184 : i32
        %add3A_186 = arith.constant 1 : i32
        %add3A_187 = arith.addi %add3A_185, %add3A_186 : i32
        %get3A_188 = arith.index_cast %add3A_187 : i32 to index
        %get3A_189 = arith.constant 0 : index
        %get3A_190 = tpu.vector_load %arg10[%get3A_188, %get3A_189] {strides = array<i32>} : memref<1040x32xf32, #tpu.memory_space<vmem>>, vector<1x16xf32>,
        %get3A_191 = vector.shape_cast %get3A_190 : vector<1x16xf32> to vector<16xf32>
        %add3A_192 = arith.addf %add3A_176, %get3A_191 : vector<16xf32>
        %add3A_193 = arith.constant 12 : i32
        %add3A_194 = arith.addi %mul3A_100, %add3A_193 : i32
        %get3A_195 = arith.index_cast %add3A_194 : i32 to index
        %get3A_196 = arith.constant 0 : index
        %get3A_197 = tpu.vector_load %arg10[%get3A_195, %get3A_196] {strides = array<i32>} : memref<1040x32xf32, #tpu.memory_space<vmem>>, vector<1x16xf32>,
        %get3A_198 = vector.shape_cast %get3A_197 : vector<1x16xf32> to vector<16xf32>
        %add3A_199 = arith.addf %add3A_183, %get3A_198 : vector<16xf32>
        %add3A_200 = arith.constant 12 : i32
        %add3A_201 = arith.addi %mul3A_100, %add3A_200 : i32
        %add3A_202 = arith.constant 1 : i32
        %add3A_203 = arith.addi %add3A_201, %add3A_202 : i32
        %get3A_204 = arith.index_cast %add3A_203 : i32 to index
        %get3A_205 = arith.constant 0 : index
        %get3A_206 = tpu.vector_load %arg10[%get3A_204, %get3A_205] {strides = array<i32>} : memref<1040x32xf32, #tpu.memory_space<vmem>>, vector<1x16xf32>,
        %get3A_207 = vector.shape_cast %get3A_206 : vector<1x16xf32> to vector<16xf32>
        %add3A_208 = arith.addf %add3A_192, %get3A_207 : vector<16xf32>
        %add3A_209 = arith.constant 14 : i32
        %add3A_210 = arith.addi %mul3A_100, %add3A_209 : i32
        %get3A_211 = arith.index_cast %add3A_210 : i32 to index
        %get3A_212 = arith.constant 0 : index
        %get3A_213 = tpu.vector_load %arg10[%get3A_211, %get3A_212] {strides = array<i32>} : memref<1040x32xf32, #tpu.memory_space<vmem>>, vector<1x16xf32>,
        %get3A_214 = vector.shape_cast %get3A_213 : vector<1x16xf32> to vector<16xf32>
        %add3A_215 = arith.addf %add3A_199, %get3A_214 : vector<16xf32>
        %add3A_216 = arith.constant 14 : i32
        %add3A_217 = arith.addi %mul3A_100, %add3A_216 : i32
        %add3A_218 = arith.constant 1 : i32
        %add3A_219 = arith.addi %add3A_217, %add3A_218 : i32
        %get3A_220 = arith.index_cast %add3A_219 : i32 to index
        %get3A_221 = arith.constant 0 : index
        %get3A_222 = tpu.vector_load %arg10[%get3A_220, %get3A_221] {strides = array<i32>} : memref<1040x32xf32, #tpu.memory_space<vmem>>, vector<1x16xf32>,
        %get3A_223 = vector.shape_cast %get3A_222 : vector<1x16xf32> to vector<16xf32>
        %add3A_224 = arith.addf %add3A_208, %get3A_223 : vector<16xf32>
        %add3A_225 = arith.constant 16 : i32
        %add3A_226 = arith.addi %mul3A_100, %add3A_225 : i32
        %get3A_227 = arith.index_cast %add3A_226 : i32 to index
        %get3A_228 = arith.constant 0 : index
        %get3A_229 = tpu.vector_load %arg10[%get3A_227, %get3A_228] {strides = array<i32>} : memref<1040x32xf32, #tpu.memory_space<vmem>>, vector<1x16xf32>,
        %get3A_230 = vector.shape_cast %get3A_229 : vector<1x16xf32> to vector<16xf32>
        %add3A_231 = arith.addf %add3A_215, %get3A_230 : vector<16xf32>
        %add3A_232 = arith.constant 16 : i32
        %add3A_233 = arith.addi %mul3A_100, %add3A_232 : i32
        %add3A_234 = arith.constant 1 : i32
        %add3A_235 = arith.addi %add3A_233, %add3A_234 : i32
        %get3A_236 = arith.index_cast %add3A_235 : i32 to index
        %get3A_237 = arith.constant 0 : index
        %get3A_238 = tpu.vector_load %arg10[%get3A_236, %get3A_237] {strides = array<i32>} : memref<1040x32xf32, #tpu.memory_space<vmem>>, vector<1x16xf32>,
        %get3A_239 = vector.shape_cast %get3A_238 : vector<1x16xf32> to vector<16xf32>
        %add3A_240 = arith.addf %add3A_224, %get3A_239 : vector<16xf32>
        %add3A_241 = arith.constant 18 : i32
        %add3A_242 = arith.addi %mul3A_100, %add3A_241 : i32
        %get3A_243 = arith.index_cast %add3A_242 : i32 to index
        %get3A_244 = arith.constant 0 : index
        %get3A_245 = tpu.vector_load %arg10[%get3A_243, %get3A_244] {strides = array<i32>} : memref<1040x32xf32, #tpu.memory_space<vmem>>, vector<1x16xf32>,
        %get3A_246 = vector.shape_cast %get3A_245 : vector<1x16xf32> to vector<16xf32>
        %add3A_247 = arith.addf %add3A_231, %get3A_246 : vector<16xf32>
        %add3A_248 = arith.constant 18 : i32
        %add3A_249 = arith.addi %mul3A_100, %add3A_248 : i32
        %add3A_250 = arith.constant 1 : i32
        %add3A_251 = arith.addi %add3A_249, %add3A_250 : i32
        %get3A_252 = arith.index_cast %add3A_251 : i32 to index
        %get3A_253 = arith.constant 0 : index
        %get3A_254 = tpu.vector_load %arg10[%get3A_252, %get3A_253] {strides = array<i32>} : memref<1040x32xf32, #tpu.memory_space<vmem>>, vector<1x16xf32>,
        %get3A_255 = vector.shape_cast %get3A_254 : vector<1x16xf32> to vector<16xf32>
        %add3A_256 = arith.addf %add3A_240, %get3A_255 : vector<16xf32>
        %add3A_257 = arith.addf %add3A_247, %add3A_256 : vector<16xf32>
        %add3A_258 = arith.constant 0 : i32
        %add3A_259 = arith.addi %shift_left3A_103, %add3A_258 : i32
        %swap3A = arith.index_cast %shift_right_logical3A_101 : i32 to index
        %swap3A_260 = arith.index_cast %add3A_259 : i32 to index
        %swap3A_261 = tpu.vector_load %arg12[%swap3A, %swap3A_260] {strides = array<i32>} : memref<13x128xf32, #tpu.memory_space<vmem>>, vector<1x16xf32>,
        %swap3A_262 = vector.shape_cast %swap3A_261 : vector<1x16xf32> to vector<16xf32>
        %swap3A_263 = vector.shape_cast %add3A_257 : vector<16xf32> to vector<1x16xf32>
        tpu.vector_store %arg12[%swap3A, %swap3A_260], %swap3A_263 {strides = array<i32>} : memref<13x128xf32, #tpu.memory_space<vmem>>, vector<1x16xf32>,
        %get3A_264 = arith.index_cast %mul3A_100 : i32 to index
        %get3A_265 = arith.constant 16 : index
        %get3A_266 = tpu.vector_load %arg10[%get3A_264, %get3A_265] {strides = array<i32>} : memref<1040x32xf32, #tpu.memory_space<vmem>>, vector<1x16xf32>,
        %get3A_267 = vector.shape_cast %get3A_266 : vector<1x16xf32> to vector<16xf32>
        %add3A_268 = arith.constant 1 : i32
        %add3A_269 = arith.addi %mul3A_100, %add3A_268 : i32
        %get3A_270 = arith.index_cast %add3A_269 : i32 to index
        %get3A_271 = arith.constant 16 : index
        %get3A_272 = tpu.vector_load %arg10[%get3A_270, %get3A_271] {strides = array<i32>} : memref<1040x32xf32, #tpu.memory_space<vmem>>, vector<1x16xf32>,
        %get3A_273 = vector.shape_cast %get3A_272 : vector<1x16xf32> to vector<16xf32>
        %add3A_274 = arith.constant 2 : i32
        %add3A_275 = arith.addi %mul3A_100, %add3A_274 : i32
        %get3A_276 = arith.index_cast %add3A_275 : i32 to index
        %get3A_277 = arith.constant 16 : index
        %get3A_278 = tpu.vector_load %arg10[%get3A_276, %get3A_277] {strides = array<i32>} : memref<1040x32xf32, #tpu.memory_space<vmem>>, vector<1x16xf32>,
        %get3A_279 = vector.shape_cast %get3A_278 : vector<1x16xf32> to vector<16xf32>
        %add3A_280 = arith.addf %get3A_267, %get3A_279 : vector<16xf32>
        %add3A_281 = arith.constant 2 : i32
        %add3A_282 = arith.addi %mul3A_100, %add3A_281 : i32
        %add3A_283 = arith.constant 1 : i32
        %add3A_284 = arith.addi %add3A_282, %add3A_283 : i32
        %get3A_285 = arith.index_cast %add3A_284 : i32 to index
        %get3A_286 = arith.constant 16 : index
        %get3A_287 = tpu.vector_load %arg10[%get3A_285, %get3A_286] {strides = array<i32>} : memref<1040x32xf32, #tpu.memory_space<vmem>>, vector<1x16xf32>,
        %get3A_288 = vector.shape_cast %get3A_287 : vector<1x16xf32> to vector<16xf32>
        %add3A_289 = arith.addf %get3A_273, %get3A_288 : vector<16xf32>
        %add3A_290 = arith.constant 4 : i32
        %add3A_291 = arith.addi %mul3A_100, %add3A_290 : i32
        %get3A_292 = arith.index_cast %add3A_291 : i32 to index
        %get3A_293 = arith.constant 16 : index
        %get3A_294 = tpu.vector_load %arg10[%get3A_292, %get3A_293] {strides = array<i32>} : memref<1040x32xf32, #tpu.memory_space<vmem>>, vector<1x16xf32>,
        %get3A_295 = vector.shape_cast %get3A_294 : vector<1x16xf32> to vector<16xf32>
        %add3A_296 = arith.addf %add3A_280, %get3A_295 : vector<16xf32>
        %add3A_297 = arith.constant 4 : i32
        %add3A_298 = arith.addi %mul3A_100, %add3A_297 : i32
        %add3A_299 = arith.constant 1 : i32
        %add3A_300 = arith.addi %add3A_298, %add3A_299 : i32
        %get3A_301 = arith.index_cast %add3A_300 : i32 to index
        %get3A_302 = arith.constant 16 : index
        %get3A_303 = tpu.vector_load %arg10[%get3A_301, %get3A_302] {strides = array<i32>} : memref<1040x32xf32, #tpu.memory_space<vmem>>, vector<1x16xf32>,
        %get3A_304 = vector.shape_cast %get3A_303 : vector<1x16xf32> to vector<16xf32>
        %add3A_305 = arith.addf %add3A_289, %get3A_304 : vector<16xf32>
        %add3A_306 = arith.constant 6 : i32
        %add3A_307 = arith.addi %mul3A_100, %add3A_306 : i32
        %get3A_308 = arith.index_cast %add3A_307 : i32 to index
        %get3A_309 = arith.constant 16 : index
        %get3A_310 = tpu.vector_load %arg10[%get3A_308, %get3A_309] {strides = array<i32>} : memref<1040x32xf32, #tpu.memory_space<vmem>>, vector<1x16xf32>,
        %get3A_311 = vector.shape_cast %get3A_310 : vector<1x16xf32> to vector<16xf32>
        %add3A_312 = arith.addf %add3A_296, %get3A_311 : vector<16xf32>
        %add3A_313 = arith.constant 6 : i32
        %add3A_314 = arith.addi %mul3A_100, %add3A_313 : i32
        %add3A_315 = arith.constant 1 : i32
        %add3A_316 = arith.addi %add3A_314, %add3A_315 : i32
        %get3A_317 = arith.index_cast %add3A_316 : i32 to index
        %get3A_318 = arith.constant 16 : index
        %get3A_319 = tpu.vector_load %arg10[%get3A_317, %get3A_318] {strides = array<i32>} : memref<1040x32xf32, #tpu.memory_space<vmem>>, vector<1x16xf32>,
        %get3A_320 = vector.shape_cast %get3A_319 : vector<1x16xf32> to vector<16xf32>
        %add3A_321 = arith.addf %add3A_305, %get3A_320 : vector<16xf32>
        %add3A_322 = arith.constant 8 : i32
        %add3A_323 = arith.addi %mul3A_100, %add3A_322 : i32
        %get3A_324 = arith.index_cast %add3A_323 : i32 to index
        %get3A_325 = arith.constant 16 : index
        %get3A_326 = tpu.vector_load %arg10[%get3A_324, %get3A_325] {strides = array<i32>} : memref<1040x32xf32, #tpu.memory_space<vmem>>, vector<1x16xf32>,
        %get3A_327 = vector.shape_cast %get3A_326 : vector<1x16xf32> to vector<16xf32>
        %add3A_328 = arith.addf %add3A_312, %get3A_327 : vector<16xf32>
        %add3A_329 = arith.constant 8 : i32
        %add3A_330 = arith.addi %mul3A_100, %add3A_329 : i32
        %add3A_331 = arith.constant 1 : i32
        %add3A_332 = arith.addi %add3A_330, %add3A_331 : i32
        %get3A_333 = arith.index_cast %add3A_332 : i32 to index
        %get3A_334 = arith.constant 16 : index
        %get3A_335 = tpu.vector_load %arg10[%get3A_333, %get3A_334] {strides = array<i32>} : memref<1040x32xf32, #tpu.memory_space<vmem>>, vector<1x16xf32>,
        %get3A_336 = vector.shape_cast %get3A_335 : vector<1x16xf32> to vector<16xf32>
        %add3A_337 = arith.addf %add3A_321, %get3A_336 : vector<16xf32>
        %add3A_338 = arith.constant 10 : i32
        %add3A_339 = arith.addi %mul3A_100, %add3A_338 : i32
        %get3A_340 = arith.index_cast %add3A_339 : i32 to index
        %get3A_341 = arith.constant 16 : index
        %get3A_342 = tpu.vector_load %arg10[%get3A_340, %get3A_341] {strides = array<i32>} : memref<1040x32xf32, #tpu.memory_space<vmem>>, vector<1x16xf32>,
        %get3A_343 = vector.shape_cast %get3A_342 : vector<1x16xf32> to vector<16xf32>
        %add3A_344 = arith.addf %add3A_328, %get3A_343 : vector<16xf32>
        %add3A_345 = arith.constant 10 : i32
        %add3A_346 = arith.addi %mul3A_100, %add3A_345 : i32
        %add3A_347 = arith.constant 1 : i32
        %add3A_348 = arith.addi %add3A_346, %add3A_347 : i32
        %get3A_349 = arith.index_cast %add3A_348 : i32 to index
        %get3A_350 = arith.constant 16 : index
        %get3A_351 = tpu.vector_load %arg10[%get3A_349, %get3A_350] {strides = array<i32>} : memref<1040x32xf32, #tpu.memory_space<vmem>>, vector<1x16xf32>,
        %get3A_352 = vector.shape_cast %get3A_351 : vector<1x16xf32> to vector<16xf32>
        %add3A_353 = arith.addf %add3A_337, %get3A_352 : vector<16xf32>
        %add3A_354 = arith.constant 12 : i32
        %add3A_355 = arith.addi %mul3A_100, %add3A_354 : i32
        %get3A_356 = arith.index_cast %add3A_355 : i32 to index
        %get3A_357 = arith.constant 16 : index
        %get3A_358 = tpu.vector_load %arg10[%get3A_356, %get3A_357] {strides = array<i32>} : memref<1040x32xf32, #tpu.memory_space<vmem>>, vector<1x16xf32>,
        %get3A_359 = vector.shape_cast %get3A_358 : vector<1x16xf32> to vector<16xf32>
        %add3A_360 = arith.addf %add3A_344, %get3A_359 : vector<16xf32>
        %add3A_361 = arith.constant 12 : i32
        %add3A_362 = arith.addi %mul3A_100, %add3A_361 : i32
        %add3A_363 = arith.constant 1 : i32
        %add3A_364 = arith.addi %add3A_362, %add3A_363 : i32
        %get3A_365 = arith.index_cast %add3A_364 : i32 to index
        %get3A_366 = arith.constant 16 : index
        %get3A_367 = tpu.vector_load %arg10[%get3A_365, %get3A_366] {strides = array<i32>} : memref<1040x32xf32, #tpu.memory_space<vmem>>, vector<1x16xf32>,
        %get3A_368 = vector.shape_cast %get3A_367 : vector<1x16xf32> to vector<16xf32>
        %add3A_369 = arith.addf %add3A_353, %get3A_368 : vector<16xf32>
        %add3A_370 = arith.constant 14 : i32
        %add3A_371 = arith.addi %mul3A_100, %add3A_370 : i32
        %get3A_372 = arith.index_cast %add3A_371 : i32 to index
        %get3A_373 = arith.constant 16 : index
        %get3A_374 = tpu.vector_load %arg10[%get3A_372, %get3A_373] {strides = array<i32>} : memref<1040x32xf32, #tpu.memory_space<vmem>>, vector<1x16xf32>,
        %get3A_375 = vector.shape_cast %get3A_374 : vector<1x16xf32> to vector<16xf32>
        %add3A_376 = arith.addf %add3A_360, %get3A_375 : vector<16xf32>
        %add3A_377 = arith.constant 14 : i32
        %add3A_378 = arith.addi %mul3A_100, %add3A_377 : i32
        %add3A_379 = arith.constant 1 : i32
        %add3A_380 = arith.addi %add3A_378, %add3A_379 : i32
        %get3A_381 = arith.index_cast %add3A_380 : i32 to index
        %get3A_382 = arith.constant 16 : index
        %get3A_383 = tpu.vector_load %arg10[%get3A_381, %get3A_382] {strides = array<i32>} : memref<1040x32xf32, #tpu.memory_space<vmem>>, vector<1x16xf32>,
        %get3A_384 = vector.shape_cast %get3A_383 : vector<1x16xf32> to vector<16xf32>
        %add3A_385 = arith.addf %add3A_369, %get3A_384 : vector<16xf32>
        %add3A_386 = arith.constant 16 : i32
        %add3A_387 = arith.addi %mul3A_100, %add3A_386 : i32
        %get3A_388 = arith.index_cast %add3A_387 : i32 to index
        %get3A_389 = arith.constant 16 : index
        %get3A_390 = tpu.vector_load %arg10[%get3A_388, %get3A_389] {strides = array<i32>} : memref<1040x32xf32, #tpu.memory_space<vmem>>, vector<1x16xf32>,
        %get3A_391 = vector.shape_cast %get3A_390 : vector<1x16xf32> to vector<16xf32>
        %add3A_392 = arith.addf %add3A_376, %get3A_391 : vector<16xf32>
        %add3A_393 = arith.constant 16 : i32
        %add3A_394 = arith.addi %mul3A_100, %add3A_393 : i32
        %add3A_395 = arith.constant 1 : i32
        %add3A_396 = arith.addi %add3A_394, %add3A_395 : i32
        %get3A_397 = arith.index_cast %add3A_396 : i32 to index
        %get3A_398 = arith.constant 16 : index
        %get3A_399 = tpu.vector_load %arg10[%get3A_397, %get3A_398] {strides = array<i32>} : memref<1040x32xf32, #tpu.memory_space<vmem>>, vector<1x16xf32>,
        %get3A_400 = vector.shape_cast %get3A_399 : vector<1x16xf32> to vector<16xf32>
        %add3A_401 = arith.addf %add3A_385, %get3A_400 : vector<16xf32>
        %add3A_402 = arith.constant 18 : i32
        %add3A_403 = arith.addi %mul3A_100, %add3A_402 : i32
        %get3A_404 = arith.index_cast %add3A_403 : i32 to index
        %get3A_405 = arith.constant 16 : index
        %get3A_406 = tpu.vector_load %arg10[%get3A_404, %get3A_405] {strides = array<i32>} : memref<1040x32xf32, #tpu.memory_space<vmem>>, vector<1x16xf32>,
        %get3A_407 = vector.shape_cast %get3A_406 : vector<1x16xf32> to vector<16xf32>
        %add3A_408 = arith.addf %add3A_392, %get3A_407 : vector<16xf32>
        %add3A_409 = arith.constant 18 : i32
        %add3A_410 = arith.addi %mul3A_100, %add3A_409 : i32
        %add3A_411 = arith.constant 1 : i32
        %add3A_412 = arith.addi %add3A_410, %add3A_411 : i32
        %get3A_413 = arith.index_cast %add3A_412 : i32 to index
        %get3A_414 = arith.constant 16 : index
        %get3A_415 = tpu.vector_load %arg10[%get3A_413, %get3A_414] {strides = array<i32>} : memref<1040x32xf32, #tpu.memory_space<vmem>>, vector<1x16xf32>,
        %get3A_416 = vector.shape_cast %get3A_415 : vector<1x16xf32> to vector<16xf32>
        %add3A_417 = arith.addf %add3A_401, %get3A_416 : vector<16xf32>
        %add3A_418 = arith.addf %add3A_408, %add3A_417 : vector<16xf32>
        %add3A_419 = arith.constant 16 : i32
        %add3A_420 = arith.addi %shift_left3A_103, %add3A_419 : i32
        %swap3A_421 = arith.index_cast %shift_right_logical3A_101 : i32 to index
        %swap3A_422 = arith.index_cast %add3A_420 : i32 to index
        %swap3A_423 = tpu.vector_load %arg12[%swap3A_421, %swap3A_422] {strides = array<i32>} : memref<13x128xf32, #tpu.memory_space<vmem>>, vector<1x16xf32>,
        %swap3A_424 = vector.shape_cast %swap3A_423 : vector<1x16xf32> to vector<16xf32>
        %swap3A_425 = vector.shape_cast %add3A_418 : vector<16xf32> to vector<1x16xf32>
        tpu.vector_store %arg12[%swap3A_421, %swap3A_422], %swap3A_425 {strides = array<i32>} : memref<13x128xf32, #tpu.memory_space<vmem>>, vector<1x16xf32>,
      }
      %scan3A_88 = arith.constant 52 : i32
      %mul3A_89 = arith.constant 64 : i32
      %mul3A_90 = arith.muli %add3A, %mul3A_89 : i32
      %add3A_91 = arith.addi %mul3A_90, %add3A_32 : i32
      %mul3A_92 = arith.constant 13 : i32
      %mul3A_93 = arith.muli %add3A_91, %mul3A_92 : i32
      "tpu.region"() ({
        %run_scoped3A = tpu.sem_alloc : memref<!tpu.dma_semaphore, #tpu.memory_space<semaphore_mem>>
        %dma_start3A = arith.constant 0 : i32
        %dma_start3A_94 = tpu.memref_slice %arg5[%mul3A_93, %dma_start3A] : memref<26624x128xf32, #tpu.memory_space<hbm>> -> memref<13x128xf32, #tpu.memory_space<hbm>>
        %dma_start3A_95 = arith.constant 0 : i32
        %dma_start3A_96 = tpu.memref_slice %arg5[%mul3A_93, %dma_start3A_95] : memref<26624x128xf32, #tpu.memory_space<hbm>> -> memref<13x128xf32, #tpu.memory_space<hbm>>
        tpu.enqueue_dma source(%arg12 : memref<13x128xf32, #tpu.memory_space<vmem>>) target(%dma_start3A_96 : memref<13x128xf32, #tpu.memory_space<hbm>>) target_semaphore(%run_scoped3A : memref<!tpu.dma_semaphore, #tpu.memory_space<semaphore_mem>>)
        %dma_wait3A = arith.constant 0 : i32
        %dma_wait3A_97 = tpu.memref_slice %arg5[%mul3A_93, %dma_wait3A] : memref<26624x128xf32, #tpu.memory_space<hbm>> -> memref<13x128xf32, #tpu.memory_space<hbm>>
        %dma_wait3A_98 = arith.constant 0 : i32
        %dma_wait3A_99 = tpu.memref_slice %arg5[%mul3A_93, %dma_wait3A_98] : memref<26624x128xf32, #tpu.memory_space<hbm>> -> memref<13x128xf32, #tpu.memory_space<hbm>>
        tpu.wait_dma2 semaphore(%run_scoped3A : memref<!tpu.dma_semaphore, #tpu.memory_space<semaphore_mem>>) src(%arg12 : memref<13x128xf32, #tpu.memory_space<vmem>>) dst(%dma_wait3A_99 : memref<13x128xf32, #tpu.memory_space<hbm>>)
        tpu.yield
      }) : () -> ()
    }
    %scan3A_18 = arith.constant 32 : i32
    %scan3A_19 = arith.constant 0 : i32
    %scan3A_20 = arith.constant 13 : i32
    %scan3A_21 = arith.addi %scan3A_19, %scan3A_20 : i32
    %scan3A_22 = arith.constant 1 : i32
    scf.for %scan3A_24 = %scan3A_19 to %scan3A_21 step %scan3A_22  : i32 {
      %mul3A_25 = arith.constant 1 : i32
      %mul3A_26 = arith.muli %scan3A_24, %mul3A_25 : i32
      %add3A_27 = arith.constant 0 : i32
      %add3A_28 = arith.addi %add3A_27, %mul3A_26 : i32
      %mul3A_29 = arith.constant 80 : i32
      %mul3A_30 = arith.muli %add3A_28, %mul3A_29 : i32
      %dma_wait3A = arith.constant 0 : i32
      %dma_wait3A_31 = tpu.memref_slice %arg9[%mul3A_30, %dma_wait3A] : memref<1040x32xf32, #tpu.memory_space<vmem>> -> memref<80x32xf32, #tpu.memory_space<vmem>>
      %dma_wait3A_32 = tpu.memref_slice %arg7[%mul3A_30] : memref<1040xi32, #tpu.memory_space<vmem>> -> memref<80xi32, #tpu.memory_space<vmem>>
      %dma_wait3A_33 = arith.constant 0 : i32
      %dma_wait3A_34 = arith.constant 0 : i32
      %dma_wait3A_35 = tpu.memref_slice %arg2[%dma_wait3A_33, %dma_wait3A_34] : memref<2600000x32xf32, #tpu.memory_space<hbm>> -> memref<2600000x32xf32, #tpu.memory_space<hbm>>
      tpu.wait_indirect_dma semaphore(%arg13 : memref<!tpu.dma_semaphore, #tpu.memory_space<semaphore_mem>>) src(%dma_wait3A_35 : memref<2600000x32xf32, #tpu.memory_space<hbm>>) dst(%dma_wait3A_31 : memref<80x32xf32, #tpu.memory_space<vmem>>)
    }
    %scan3A_23 = arith.constant 13 : i32
    return
  }
}

</mosaic_0001>

<sc_bundles>
// kernel: kernel.3.cloned.1.call-start
scs
__scs_entry_jumppad:
0x0: {  	(pc) =	sbr.rel $0x88, $3  }
0x1: {  	(tag) =	ssettag $0x0;
	lr =	simm.s32 $0x1  }
0x2: {  	[smem:$0x3F9F] =	sst lr;
	_ =	strace $0xD0000000  }
0x3: {  	_ = 	snop  }
0x4: {  	_ = 	snop  }
0x5: {  	_ = 	snop  }
0x6: {  	_ = 	snop  }
0x7: {  	_ = 	snop  }
__scs_overlays_trampoline_lowered:
0x8: {  	[smem:$0x3FAE] =	sst s0  }
0x9: {  	[smem:$0x3FAF] =	sst s1  }
0xa: {  	[smem:$0x3FB0] =	sst s2  }
0xb: {  	[smem:$0x3FB1] =	sst s3  }
0xc: {  	[smem:$0x3FB2] =	sst s4  }
0xd: {  	[smem:$0x3FB3] =	sst s5  }
0xe: {  	[smem:$0x3FB4] =	sst s6  }
0xf: {  	[smem:$0x3FB5] =	sst s7  }
0x10: {  	[smem:$0x3FB6] =	sst s8  }
0x11: {  	[smem:$0x3FB7] =	sst s9;
	s0 =	simm.s32 @!p0 $0x0  }
0x12: {  	s1 =	sld [smem:$0x3F9D];
	s0 =	simm.s32 @p0 $0x1  }
0x13: {  	[smem:$0x3FB8] =	sst s0;
	s0 =	simm.s32 @!p1 $0x0  }
0x14: {  	s2 =	sld [smem:$0x3F9C];
	s0 =	simm.s32 @p1 $0x1  }
0x15: {  	[smem:$0x3FB9] =	sst s0;
	s0 =	simm.s32 @!p2 $0x0  }
0x16: {  	s3 =	sld [smem:$0x3FDB];
	s0 =	simm.s32 @p2 $0x1  }
0x17: {  	s4 =	simm.s32 $0x1BF5;
	[smem:$0x3FBB] =	sst s0  }
0x18: {  	s0 =	sld [smem:$0x3F9E];
	_ =	swait.ge [sflag:s4], $0x0  }
0x19: {  	s7 =	sld [smem:$0x3F9F]  }
0x1a: {  	s8 =	sadd.s32 $0xFFFFE003, lr  }
0x1b: {  	s9 =	sadd.s32 $0xFFFFFEF7, lr;
	s5 =	simm.s32 $0xFFFFFFFF;
	p2 =	slt.u32 s8, $0xFFFFF086  }
0x1c: {  	p1 =	slt.u32 s9, $0xF7A;
	s5 =	simm.s32 @!p2 $0x0  }
0x1d: {  	s5 =	simm.s32 @p1 $0x1;
	p0 =	seq.s32 s7, s2  }
0x1e: {  	s7 =	smul.u32 @!p0 $0xF7A, s2;
	p2 =	seq.s32 @!p0 s5, $0x0  }
0x1f: {  	s9 =	smul.u32 $0xF7A, s1;
	s8 =	simm.s32 @!p0 $0x1BF5;
	p2 =	por !p2, p0  }
0x20: {  	[sflag:s8] =	ssyncset.s32 @!p0 $0xFFFFF086;
	s6 =	sadd.s32 @!p0 s3, s7;
	s7 =	simm.s32 @!p0 $0x108  }
0x21: {  	s3 =	sadd.s32 s3, s9;
	s6 =	sadd.s32 @!p0 $0x88, s6;
	s7 =	simm.s32 @p2 $0x1082  }
0x22: {  	[simem:s7], [sflag:s8] =	dma.local @!p0 [hbm:s6], $0xF7A  }
0x23: {  	s9 =	sor.u32 $0xD0000000, s2;
	s6 =	simm.s32 $0x108;
	_ =	swait.ge @!p0 [sflag:s8], $0x0  }
0x24: {  	s3 =	sadd.s32 $0x88, s3;
	s6 =	simm.s32 @!p1 $0x1082;
	[sflag:s4] =	ssyncset.s32 $0xFFFFF086  }
0x25: {  	[simem:s6], [sflag:s4] =	dma.local [hbm:s3], $0xF7A  }
0x26: {  	[smem:$0x3F9F] =	sst s1;
	(tag) =	ssettag s2;
	_ =	strace s9  }
0x27: {  	s1 =	sld [smem:$0x3FAF]  }
0x28: {  	s2 =	sld [smem:$0x3FB0]  }
0x29: {  	s4 =	sld [smem:$0x3FB2]  }
0x2a: {  	p0 =	seq.s32 s5, $0x0;
	s5 =	sld [smem:$0x3FB3]  }
0x2b: {  	s6 =	sld [smem:$0x3FB4]  }
0x2c: {  	s7 =	sld [smem:$0x3FB5]  }
0x2d: {  	s3 =	simm.s32 $0x108;
	s8 =	sld [smem:$0x3FB6]  }
0x2e: {  	s3 =	simm.s32 @!p0 $0x1082;
	s9 =	sld [smem:$0x3FB7]  }
0x2f: {  	lr =	sadd.s32 s0, s3;
	s0 =	sld [smem:$0x3FAE]  }
0x30: {  	s3 =	sld [smem:$0x3FB1]  }
0x31: {  	[smem:$0x3FBA] =	sst s10  }
0x32: {  	s10 =	sld [smem:$0x3FB8];
	_ =	sdelay $0x3  }
0x33: {  	p0 =	seq.s32 s10, $0x1;
	s10 =	sld [smem:$0x3FBA];
	_ =	sdelay $0x3  }
0x34: {  	[smem:$0x3FBA] =	sst s10  }
0x35: {  	s10 =	sld [smem:$0x3FB9];
	_ =	sdelay $0x3  }
0x36: {  	p1 =	seq.s32 s10, $0x1;
	s10 =	sld [smem:$0x3FBA];
	_ =	sdelay $0x3  }
0x37: {  	[smem:$0x3FBA] =	sst s10  }
0x38: {  	s10 =	sld [smem:$0x3FBB]  }
0x39: {  	_ = 	snop;
	(pc) =	sbr.ind lr, $3  }
0x3a: {  	_ = 	snop  }
0x3b: {  	_ = 	snop  }
0x3c: {  	p2 =	seq.s32 s10, $0x1;
	s10 =	sld [smem:$0x3FBA]  }
0x3d: {  	_ =	shalt  }
0x3e: {  	_ =	shalt  }
0x3f: {  	_ =	shalt  }
0x40: {  	_ =	shalt  }
0x41: {  	_ =	shalt  }
0x42: {  	_ =	shalt  }
0x43: {  	_ =	shalt  }
0x44: {  	_ =	shalt  }
0x45: {  	_ =	shalt  }
0x46: {  	_ =	shalt  }
0x47: {  	_ =	shalt  }
0x48: {  	_ =	shalt  }
0x49: {  	_ =	shalt  }
0x4a: {  	_ =	shalt  }
0x4b: {  	_ =	shalt  }
0x4c: {  	_ =	shalt  }
0x4d: {  	_ =	shalt  }
0x4e: {  	_ =	shalt  }
0x4f: {  	_ =	shalt  }
0x50: {  	_ =	shalt  }
0x51: {  	_ =	shalt  }
0x52: {  	_ =	shalt  }
0x53: {  	_ =	shalt  }
0x54: {  	_ =	shalt  }
0x55: {  	_ =	shalt  }
0x56: {  	_ =	shalt  }
0x57: {  	_ =	shalt  }
0x58: {  	_ =	shalt  }
0x59: {  	_ =	shalt  }
0x5a: {  	_ =	shalt  }
0x5b: {  	_ =	shalt  }
0x5c: {  	_ =	shalt  }
0x5d: {  	_ =	shalt  }
0x5e: {  	_ =	shalt  }
0x5f: {  	_ =	shalt  }
0x60: {  	_ =	shalt  }
0x61: {  	_ =	shalt  }
0x62: {  	_ =	shalt  }
0x63: {  	_ =	shalt  }
0x64: {  	_ =	shalt  }
0x65: {  	_ =	shalt  }
0x66: {  	_ =	shalt  }
0x67: {  	_ =	shalt  }
0x68: {  	_ =	shalt  }
0x69: {  	_ =	shalt  }
0x6a: {  	_ =	shalt  }
0x6b: {  	_ =	shalt  }
0x6c: {  	_ =	shalt  }
0x6d: {  	_ =	shalt  }
0x6e: {  	_ =	shalt  }
0x6f: {  	_ =	shalt  }
0x70: {  	_ =	shalt  }
0x71: {  	_ =	shalt  }
0x72: {  	_ =	shalt  }
0x73: {  	_ =	shalt  }
0x74: {  	_ =	shalt  }
0x75: {  	_ =	shalt  }
0x76: {  	_ =	shalt  }
0x77: {  	_ =	shalt  }
0x78: {  	_ =	shalt  }
0x79: {  	_ =	shalt  }
0x7a: {  	_ =	shalt  }
0x7b: {  	_ =	shalt  }
0x7c: {  	_ =	shalt  }
0x7d: {  	_ =	shalt  }
0x7e: {  	_ =	shalt  }
0x7f: {  	_ =	shalt  }
0x80: {  	_ =	shalt  }
0x81: {  	_ =	shalt  }
0x82: {  	_ =	shalt  }
0x83: {  	_ =	shalt  }
0x84: {  	_ =	shalt  }
0x85: {  	_ =	shalt  }
0x86: {  	_ =	shalt  }
0x87: {  	_ =	shalt  }
.Lfunc_end0:
.L_simem_size_0:
called_computation_lowered:
.L_overlay_start_0:
0x88: {  	s2 =	sld [smem:$0x3FD9]  }
0x89: {  	s3 =	sld [smem:$0x3FFE];
	_ =	sdelay $0x1  }
0x8a: {  	s1 =	srdreg.scid  }
0x8b: {  	s0 =	sand.u32 $0x1, s1  }
0x8c: {  	s17 =	sshll.u32 s0, $0xA;
	s2 =	sadd.s32 s3, s2  }
0x8d: {  	s2 =	sadd.s32 s2, s17  }
0x8e: {  	[smem:$0x3FC6] =	sst s2  }
0x8f: {  	_ = 	snop  }
0x90: {  	s2 =	sld [smem:$0x3FD0];
	(tm) =	ssettm $0x1  }
0x91: {  	s18 =	sld [smem:$0x3FFB];
	_ =	sdelay $0x3  }
0x92: {  	_ =	strace s18  }
0x93: {  	s3 =	sld [smem:$0x3FFC];
	_ =	sdelay $0x3  }
0x94: {  	_ =	strace s3  }
0x95: {  	s3 =	sld [smem:$0x3FFD];
	_ =	sdelay $0x3  }
0x96: {  	_ =	strace s3  }
0x97: {  	_ =	strace $0x8FFFFFFF  }
0x98: {  	s19 =	sld [smem:$0x3FDB];
	_ =	sdelay $0x1  }
0x99: {  	s4 =	simm.s32 $_scs_section_size  }
0x9a: {  	s5 =	simm.s32 $_size__tile_overlayer_lowered;
	s6 =	simm.s32 $_tile_overlayer_lowered  }
0x9b: {  	s22 =	simm.s32 $0x1BFF;
	s21 =	sshll.u32 s6, $0x1;
	s3 =	sadd.s32 s4, s19  }
0x9c: {  	s7 =	simm.s32 $0x0;
	s20 =	sshll.u32 s5, $0x1;
	s5 =	sadd.s32 s21, s3  }
0x9d: {  	[timem:s7], [sflag:s22] =	dma.local [hbm:s5], s20  }
0x9e: {  	_ =	swait.ge [sflag:s22], s20  }
0x9f: {  	s4 =	ssub.s32 $0x0, s20;
	[sflag:s22] =	ssyncset.done $0x0  }
0xa0: {  	[sflag:s22] =	ssyncadd.s32 s4;
	_ =	sdelay $0x1  }
0xa1: {  	s23 =	simm.s32 $0x1B8B  }
0xa2: {  	_ =	swait.ge [sflag:s23], $0x1  }
0xa3: {  	[sflag:s23] =	ssyncset.done $0x0  }
0xa4: {  	s25 =	simm.s32 $0x1B8E;
	s24 =	sld [smem:$0x3FFE];
	[sflag:s23] =	ssyncadd.s32 $0xFFFFFFFF  }
0xa5: {  	s26 =	simm.s32 $execute0_lowered;
	[smem:$0x3FD2] =	sst s25  }
0xa6: {  	s5 =	sshll.u32 s26, $0x1;
	_ =	strace $0x80000046;
	[dreg:$0x1] =	wrdreg $0xFFFFFFFF  }
0xa7: {  	s28 =	simm.s32 $_size_execute0_lowered;
	s3 =	sadd.s32 s3, s5;
	[dreg:$0x0] =	wrdreg $0x0  }
0xa8: {  	s5 =	sshll.u32 s28, $0x1;
	[dreg:$0x2] =	wrdreg s3  }
0xa9: {  	[dreg:$0x3] =	wrdreg s5  }
0xaa: {  	[dreg:$0x4] =	wrdreg $0xC0  }
0xab: {  	_ =	task [dreg:s7], $0x5FFFF  }
0xac: {  	[dreg:$0x1] =	wrdreg $0xFFFFFFFF  }
0xad: {  	[dreg:$0x0] =	wrdreg $0x60  }
0xae: {  	[dreg:$0x2] =	wrdreg s24  }
0xaf: {  	[dreg:$0x3] =	wrdreg s2  }
0xb0: {  	[dreg:$0x4] =	wrdreg $0x9  }
0xb1: {  	_ =	task.clear_ibuf [dreg:s7], $0x5FFFF;
	_ =	strace $0x90000046  }
0xb2: {  	s29 =	simm.s32 $0x9;
	_ =	strace $0x80000048  }
0xb3: {  	_ =	swait.ge [sflag:s29], $0x1  }
0xb4: {  	[sflag:s29] =	ssyncadd.s32 $0xFFFFFFFF  }
0xb5: {  	_ =	strace $0x90000048  }
0xb6: {  	_ =	sfence  }
0xb7: {  	s30 =	sld [smem:$0x0];
	_ =	sdelay $0x2  }
0xb8: {  	s31 =	sshll.u32 s1, $0xD;
	s1 =	sshrl.u32 s1, $0x2  }
0xb9: {  	s3 =	sand.u32 $0x4000, s31;
	s1 =	sadd.s32 s1, s30  }
0xba: {  	s0 =	sor.u32 s3, s0;
	s1 =	sshll.u32 s1, $0x11  }
0xbb: {  	s0 =	sor.u32 s1, s0  }
0xbc: {  	s0 =	sadd.s32 $0x8F2B, s0  }
0xbd: {  	[sflag:s0] =	ssyncadd.remote.s32 $0x1  }
0xbe: {  	_ =	sfence.sel $0xFFFF  }
0xbf: {  	[dreg:$0x0] =	wrdreg $0xFFFFFFFF;
	(pc) =	sbr.abs _section_cstart, $3  }
0xc0: {  	[dreg:$0x1] =	wrdreg $0xFFFFFFFF  }
0xc1: {  	_ =	task.clear_ibuf [dreg:s7], $0x2FFFF;
	_ =	strace $0x9FFFFFFF  }
0xc2: {  	(tm) =	ssettm $0x7FFFFFFF  }
0xc3: {  	_ =	shalt  }
tec
execute0_lowered:
.L_overlay_start_1:
0x0: {  	(tag) =	ssettag $0x1  }
0x1: {  	s0 =	rddreg [dreg:$0x0]  }
0x2: {  	s2 =	rddreg [dreg:$0x1]  }
0x3: {  	s1 =	srdreg.scid;
	s3 =	stileid.u32;
	s5 =	simm.s32 $0x0  }
0x4: {  	s11 =	simm.s32 $0x3;
	s12 =	simm.s32 $0x410;
	s13 =	simm.s32 $0x50  }
0x5: {  	s9 =	simm.s32 $0x780;
	s14 =	simm.s32 $0x7A30;
	s15 =	simm.s32 $0x7D0  }
0x6: {  	s16 =	simm.s32 $0x8430;
	s17 =	simm.s32 $0x820;
	s19 =	simm.s32 $0xB90  }
0x7: {  	s28 =	simm.s32 $0xFC30;
	s22 =	simm.s32 $0xBE0;
	s29 =	simm.s32 $0x10630  }
0x8: {  	s20 =	simm.s32 $0x1;
	s30 =	simm.s32 $0x11030;
	s23 =	simm.s32 $0x2  }
0x9: {  	s31 =	simm.s32 $0x116B0;
	s21 =	simm.s32 $0x0;
	s18 =	simm.s32 $0x0  }
0xa: {  	s1 =	sand.u32 $0x1, s1;
	s3 =	sshll.u32 s3, $0x7;
	[smem:$0x7FF] =	sst s5  }
0xb: {  	s5 =	sadd.s32 $0x27ACC00, s0;
	s4 =	sshll.u32 s1, $0x6;
	s1 =	ssub.s32 $0x2, s1  }
0xc: {  	s6 =	sadd.s32 $0x200800, s0;
	s4 =	sor.u32 s4, s3;
	s24 =	sshrl.u32 s1, $0x1  }
0xd: {  	s0 =	sadd.s32 $0x800, s0;
	s7 =	smul.u32 $0x82, s4;
	s1 =	ssub.s32 s1, s24  }
0xe: {  	_ =	strace $0x80000047;
	[dreg:$0x3] =	wrdreg s0;
	s26 =	smax.u32 s1, $0x1  }
0xf: {  	s10 =	sor.u32 $0x1, s4;
	s25 =	sadd.s32 s6, s7;
	[dreg:$0x5] =	wrdreg s26  }
0x10: {  	s1 =	simm.s32 $0x0;
	s26 =	simm.s32 $0xF230;
	[dreg:$0x4] =	wrdreg s25  }
.LBB2_1:
0x11: {  	[dreg:$0x6] =	wrdreg s1  }
0x12: {  	s0 =	simm.s32 $0x0;
	s24 =	rddreg [dreg:$0x3]  }
0x13: {  	[tilespmem:s0], [sflag:$0x3] =	stream.linear.gather [hbm4b:s24+s0], $0x410, $0x38;
	[tilespmem:$0x11D30] =	vst v63  }
0x14: {  	_ =	swait.ge [sflag:s11], $0x410  }
0x15: {  	[sflag:s11] =	ssyncset.done $0x0  }
0x16: {  	s25 =	rddreg [dreg:$0x4];
	[sflag:s11] =	ssyncadd.s32 $0xFFFFFBF0  }
0x17: {  	[tilespmem:s12], [sflag:$0x3] =	stream.linear.gather [hbm4b:s25+s0], $0x410, $0x38;
	[tilespmem:$0x11D30] =	vst v63  }
0x18: {  	_ =	swait.ge [sflag:s11], $0x410  }
0x19: {  	[sflag:s11] =	ssyncset.done $0x0  }
0x1a: {  	s0 =	simm.s32 $0x0;
	[sflag:s11] =	ssyncadd.s32 $0xFFFFFBF0  }
0x1b: {  	s1 =	simm.s32 $0x40;
	v0 =	vld [tilespmem:s0+$0x0]  }
.LBB2_2:
0x1c: {  	p0 =	sne.s32 s1, $0x1000;
	v1 =	vld [tilespmem:s0+$0x410];
	_ =	sdelay $0x1  }
.Ltmp0:
0x1d: {  	(pc) =	sbr.rel @p0 .LBB2_2-.Ltmp0, $3  }
0x1e: {  	_ =	sdelay $0x1  }
0x1f: {  	s3 =	sshra.s32 s1, $0x2;
	v1 =	vadd.s32 v1, v0  }
0x20: {  	s1 =	sadd.s32 $0x40, s1;
	v0 =	vld [tilespmem:s3+$0x0];
	[tilespmem:s0+$0x410] =	vst v1;
	s0 =	smov.u32 s3  }
0x21: {  	v1 =	vld [tilespmem:s0+$0x410];
	_ =	sdelay $0x4  }
0x22: {  	v0 =	vadd.s32 v1, v0  }
0x23: {  	s24 =	simm.s32 $0xC30;
	[tilespmem:s0+$0x410] =	vst v0  }
0x24: {  	[tilespmem:s24], [sflag:$0x1] =	stream.indirect.gather [hbm4b:s5+s13], $0x20, s12, s13, $0xb8;
	[tilespmem:$0x11D30] =	vst v63  }
0x25: {  	s25 =	simm.s32 $0x460;
	s1 =	simm.s32 $0x1630  }
0x26: {  	[tilespmem:s1], [sflag:$0x1] =	stream.indirect.gather [hbm4b:s5+s13], $0x20, s25, s13, $0xb8;
	[tilespmem:$0x11D30] =	vst v63  }
0x27: {  	s3 =	simm.s32 $0x2030;
	s1 =	simm.s32 $0x4B0  }
0x28: {  	[tilespmem:s3], [sflag:$0x1] =	stream.indirect.gather [hbm4b:s5+s13], $0x20, s1, s13, $0xb8;
	[tilespmem:$0x11D30] =	vst v63  }
0x29: {  	s7 =	simm.s32 $0x500;
	s8 =	simm.s32 $0x2A30  }
0x2a: {  	[tilespmem:s8], [sflag:$0x1] =	stream.indirect.gather [hbm4b:s5+s13], $0x20, s7, s13, $0xb8;
	[tilespmem:$0x11D30] =	vst v63  }
0x2b: {  	s24 =	simm.s32 $0x550;
	s25 =	simm.s32 $0x3430  }
0x2c: {  	[tilespmem:s25], [sflag:$0x1] =	stream.indirect.gather [hbm4b:s5+s13], $0x20, s24, s13, $0xb8;
	[tilespmem:$0x11D30] =	vst v63  }
0x2d: {  	s1 =	simm.s32 $0x5A0;
	s3 =	simm.s32 $0x3E30  }
0x2e: {  	[tilespmem:s3], [sflag:$0x1] =	stream.indirect.gather [hbm4b:s5+s13], $0x20, s1, s13, $0xb8;
	[tilespmem:$0x11D30] =	vst v63  }
0x2f: {  	s7 =	simm.s32 $0x5F0;
	s8 =	simm.s32 $0x4830  }
0x30: {  	[tilespmem:s8], [sflag:$0x1] =	stream.indirect.gather [hbm4b:s5+s13], $0x20, s7, s13, $0xb8;
	[tilespmem:$0x11D30] =	vst v63  }
0x31: {  	s24 =	simm.s32 $0x640;
	s25 =	simm.s32 $0x5230  }
0x32: {  	[tilespmem:s25], [sflag:$0x1] =	stream.indirect.gather [hbm4b:s5+s13], $0x20, s24, s13, $0xb8;
	[tilespmem:$0x11D30] =	vst v63  }
0x33: {  	s1 =	simm.s32 $0x690;
	s3 =	simm.s32 $0x5C30  }
0x34: {  	[tilespmem:s3], [sflag:$0x1] =	stream.indirect.gather [hbm4b:s5+s13], $0x20, s1, s13, $0xb8;
	[tilespmem:$0x11D30] =	vst v63  }
0x35: {  	s7 =	simm.s32 $0x6E0;
	s8 =	simm.s32 $0x6630  }
0x36: {  	[tilespmem:s8], [sflag:$0x1] =	stream.indirect.gather [hbm4b:s5+s13], $0x20, s7, s13, $0xb8;
	[tilespmem:$0x11D30] =	vst v63  }
0x37: {  	s24 =	simm.s32 $0x730;
	s25 =	simm.s32 $0x7030  }
0x38: {  	[tilespmem:s25], [sflag:$0x1] =	stream.indirect.gather [hbm4b:s5+s13], $0x20, s24, s13, $0xb8;
	[tilespmem:$0x11D30] =	vst v63  }
0x39: {  	_ = 	snop  }
0x3a: {  	[tilespmem:s14], [sflag:$0x1] =	stream.indirect.gather [hbm4b:s5+s13], $0x20, s9, s13, $0xb8;
	[tilespmem:$0x11D30] =	vst v63  }
0x3b: {  	s0 =	simm.s32 $0x0  }
0x3c: {  	[tilespmem:s16], [sflag:$0x1] =	stream.indirect.gather [hbm4b:s5+s13], $0x20, s15, s13, $0xb8;
	[tilespmem:$0x11D30] =	vst v63  }
.LBB2_4:
0x3d: {  	s1 =	sshll.u32 s0, $0x1  }
0x3e: {  	s24 =	sor.u32 s10, s1  }
0x3f: {  	s3 =	smul.u32 $0x82, s24;
	_ =	sdelay $0x1  }
0x40: {  	s3 =	sadd.s32 s6, s3  }
0x41: {  	[tilespmem:s17], [sflag:$0x3] =	stream.linear.gather [hbm4b:s3+s18], $0x410, $0x38;
	[tilespmem:$0x11D30] =	vst v63  }
0x42: {  	_ =	swait.ge [sflag:s11], $0x410  }
0x43: {  	[sflag:s11] =	ssyncset.done $0x0  }
0x44: {  	s3 =	simm.s32 $0x0;
	[sflag:s11] =	ssyncadd.s32 $0xFFFFFBF0  }
0x45: {  	s7 =	simm.s32 $0x40;
	v0 =	vld [tilespmem:s3+$0x0]  }
.LBB2_5:
0x46: {  	p0 =	sne.s32 s7, $0x1000;
	v1 =	vld [tilespmem:s3+$0x820];
	_ =	sdelay $0x1  }
.Ltmp1:
0x47: {  	(pc) =	sbr.rel @p0 .LBB2_5-.Ltmp1, $3  }
0x48: {  	_ =	sdelay $0x1  }
0x49: {  	s8 =	sshra.s32 s7, $0x2;
	v1 =	vadd.s32 v1, v0  }
0x4a: {  	s7 =	sadd.s32 $0x40, s7;
	v0 =	vld [tilespmem:s8+$0x0];
	[tilespmem:s3+$0x820] =	vst v1;
	s3 =	smov.u32 s8  }
0x4b: {  	v1 =	vld [tilespmem:s3+$0x820];
	_ =	sdelay $0x4  }
0x4c: {  	v0 =	vadd.s32 v1, v0  }
0x4d: {  	s8 =	simm.s32 $0x8E30;
	[tilespmem:s3+$0x820] =	vst v0  }
0x4e: {  	[tilespmem:s8], [sflag:$0x2] =	stream.indirect.gather [hbm4b:s5+s13], $0x20, s17, s13, $0xb8;
	[tilespmem:$0x11D30] =	vst v63  }
0x4f: {  	s25 =	simm.s32 $0x870;
	s7 =	simm.s32 $0x9830  }
0x50: {  	[tilespmem:s7], [sflag:$0x2] =	stream.indirect.gather [hbm4b:s5+s13], $0x20, s25, s13, $0xb8;
	[tilespmem:$0x11D30] =	vst v63  }
0x51: {  	s8 =	simm.s32 $0x8C0;
	s25 =	simm.s32 $0xA230  }
0x52: {  	[tilespmem:s25], [sflag:$0x2] =	stream.indirect.gather [hbm4b:s5+s13], $0x20, s8, s13, $0xb8;
	[tilespmem:$0x11D30] =	vst v63  }
0x53: {  	s8 =	simm.s32 $0x910;
	s25 =	simm.s32 $0xAC30  }
0x54: {  	[tilespmem:s25], [sflag:$0x2] =	stream.indirect.gather [hbm4b:s5+s13], $0x20, s8, s13, $0xb8;
	[tilespmem:$0x11D30] =	vst v63  }
0x55: {  	s8 =	simm.s32 $0x960;
	s25 =	simm.s32 $0xB630  }
0x56: {  	[tilespmem:s25], [sflag:$0x2] =	stream.indirect.gather [hbm4b:s5+s13], $0x20, s8, s13, $0xb8;
	[tilespmem:$0x11D30] =	vst v63  }
0x57: {  	s8 =	simm.s32 $0x9B0;
	s25 =	simm.s32 $0xC030  }
0x58: {  	[tilespmem:s25], [sflag:$0x2] =	stream.indirect.gather [hbm4b:s5+s13], $0x20, s8, s13, $0xb8;
	[tilespmem:$0x11D30] =	vst v63  }
0x59: {  	s8 =	simm.s32 $0xA00;
	s25 =	simm.s32 $0xCA30  }
0x5a: {  	[tilespmem:s25], [sflag:$0x2] =	stream.indirect.gather [hbm4b:s5+s13], $0x20, s8, s13, $0xb8;
	[tilespmem:$0x11D30] =	vst v63  }
0x5b: {  	s8 =	simm.s32 $0xA50;
	s25 =	simm.s32 $0xD430  }
0x5c: {  	[tilespmem:s25], [sflag:$0x2] =	stream.indirect.gather [hbm4b:s5+s13], $0x20, s8, s13, $0xb8;
	[tilespmem:$0x11D30] =	vst v63  }
0x5d: {  	s8 =	simm.s32 $0xAA0;
	s25 =	simm.s32 $0xDE30  }
0x5e: {  	[tilespmem:s25], [sflag:$0x2] =	stream.indirect.gather [hbm4b:s5+s13], $0x20, s8, s13, $0xb8;
	[tilespmem:$0x11D30] =	vst v63  }
0x5f: {  	s8 =	simm.s32 $0xAF0;
	s25 =	simm.s32 $0xE830  }
0x60: {  	[tilespmem:s25], [sflag:$0x2] =	stream.indirect.gather [hbm4b:s5+s13], $0x20, s8, s13, $0xb8;
	[tilespmem:$0x11D30] =	vst v63  }
0x61: {  	s8 =	simm.s32 $0xB40  }
0x62: {  	[tilespmem:s26], [sflag:$0x2] =	stream.indirect.gather [hbm4b:s5+s13], $0x20, s8, s13, $0xb8;
	[tilespmem:$0x11D30] =	vst v63  }
0x63: {  	_ = 	snop  }
0x64: {  	[tilespmem:s28], [sflag:$0x2] =	stream.indirect.gather [hbm4b:s5+s13], $0x20, s19, s13, $0xb8;
	[tilespmem:$0x11D30] =	vst v63  }
0x65: {  	_ = 	snop  }
0x66: {  	[tilespmem:s29], [sflag:$0x2] =	stream.indirect.gather [hbm4b:s5+s13], $0x20, s22, s13, $0xb8;
	[tilespmem:$0x11D30] =	vst v63  }
0x67: {  	_ =	swait.ge [sflag:s20], $0xA00  }
0x68: {  	[sflag:s20] =	ssyncset.done $0x0  }
0x69: {  	[sflag:s20] =	ssyncadd.s32 $0xFFFFF600  }
0x6a: {  	_ =	swait.ge [sflag:s20], $0xA00  }
0x6b: {  	[sflag:s20] =	ssyncset.done $0x0  }
0x6c: {  	[sflag:s20] =	ssyncadd.s32 $0xFFFFF600  }
0x6d: {  	_ =	swait.ge [sflag:s20], $0xA00  }
0x6e: {  	[sflag:s20] =	ssyncset.done $0x0  }
0x6f: {  	[sflag:s20] =	ssyncadd.s32 $0xFFFFF600  }
0x70: {  	_ =	swait.ge [sflag:s20], $0xA00  }
0x71: {  	[sflag:s20] =	ssyncset.done $0x0  }
0x72: {  	[sflag:s20] =	ssyncadd.s32 $0xFFFFF600  }
0x73: {  	_ =	swait.ge [sflag:s20], $0xA00  }
0x74: {  	[sflag:s20] =	ssyncset.done $0x0  }
0x75: {  	[sflag:s20] =	ssyncadd.s32 $0xFFFFF600  }
0x76: {  	_ =	swait.ge [sflag:s20], $0xA00  }
0x77: {  	[sflag:s20] =	ssyncset.done $0x0  }
0x78: {  	[sflag:s20] =	ssyncadd.s32 $0xFFFFF600  }
0x79: {  	_ =	swait.ge [sflag:s20], $0xA00  }
0x7a: {  	[sflag:s20] =	ssyncset.done $0x0  }
0x7b: {  	[sflag:s20] =	ssyncadd.s32 $0xFFFFF600  }
0x7c: {  	_ =	swait.ge [sflag:s20], $0xA00  }
0x7d: {  	[sflag:s20] =	ssyncset.done $0x0  }
0x7e: {  	[sflag:s20] =	ssyncadd.s32 $0xFFFFF600  }
0x7f: {  	_ =	swait.ge [sflag:s20], $0xA00  }
0x80: {  	[sflag:s20] =	ssyncset.done $0x0  }
0x81: {  	[sflag:s20] =	ssyncadd.s32 $0xFFFFF600  }
0x82: {  	_ =	swait.ge [sflag:s20], $0xA00  }
0x83: {  	[sflag:s20] =	ssyncset.done $0x0  }
0x84: {  	[sflag:s20] =	ssyncadd.s32 $0xFFFFF600  }
0x85: {  	_ =	swait.ge [sflag:s20], $0xA00  }
0x86: {  	[sflag:s20] =	ssyncset.done $0x0  }
0x87: {  	[sflag:s20] =	ssyncadd.s32 $0xFFFFF600  }
0x88: {  	_ =	swait.ge [sflag:s20], $0xA00  }
0x89: {  	[sflag:s20] =	ssyncset.done $0x0  }
0x8a: {  	[sflag:s20] =	ssyncadd.s32 $0xFFFFF600  }
0x8b: {  	_ =	swait.ge [sflag:s20], $0xA00  }
0x8c: {  	[sflag:s20] =	ssyncset.done $0x0  }
0x8d: {  	s3 =	simm.s32 $0xD70;
	[sflag:s20] =	ssyncadd.s32 $0xFFFFF600  }
0x8e: {  	v0 =	vld [tilespmem:s3+$0xFFFFFF20]  }
0x8f: {  	v1 =	vld [tilespmem:s3+$0xFFFFFF00]  }
0x90: {  	v2 =	vld [tilespmem:s3+$0xFFFFFEC0]  }
0x91: {  	v3 =	vld [tilespmem:s3+$0xFFFFFEE0]  }
0x92: {  	v4 =	vld [tilespmem:s3+$0xFFFFFF40]  }
0x93: {  	v5 =	vld [tilespmem:s3+$0xFFFFFF60]  }
0x94: {  	v6 =	vld [tilespmem:s3+$0xFFFFFF80]  }
0x95: {  	v7 =	vld [tilespmem:s3+$0xFFFFFFA0]  }
0x96: {  	v1 =	vadd.f32 v1, v2;
	v0 =	vadd.f32 v0, v3;
	v2 =	vld [tilespmem:s3+$0xFFFFFFC0]  }
0x97: {  	v3 =	vld [tilespmem:s3+$0xFFFFFFE0]  }
0x98: {  	v44 =	vld [tilespmem:s3+$0x0];
	v1 =	vadd.f32 v4, v1;
	v0 =	vadd.f32 v5, v0  }
0x99: {  	v45 =	vld [tilespmem:s3+$0x20]  }
0x9a: {  	v46 =	vld [tilespmem:s3+$0x40];
	v1 =	vadd.f32 v6, v1;
	v0 =	vadd.f32 v7, v0  }
0x9b: {  	v47 =	vld [tilespmem:s3+$0x60]  }
0x9c: {  	v1 =	vadd.f32 v2, v1;
	v0 =	vadd.f32 v3, v0;
	v2 =	vld [tilespmem:s3+$0x80]  }
0x9d: {  	v3 =	vld [tilespmem:s3+$0xA0]  }
0x9e: {  	v48 =	vld [tilespmem:s3+$0xC0];
	v1 =	vadd.f32 v44, v1;
	v0 =	vadd.f32 v45, v0  }
0x9f: {  	v49 =	vld [tilespmem:s3+$0xE0]  }
0xa0: {  	v50 =	vld [tilespmem:s3+$0x120];
	v1 =	vadd.f32 v46, v1;
	v0 =	vadd.f32 v47, v0  }
0xa1: {  	v51 =	vld [tilespmem:s3+$0x100]  }
0xa2: {  	v1 =	vadd.f32 v2, v1;
	v0 =	vadd.f32 v3, v0;
	_ =	sdelay $0x1  }
0xa3: {  	v1 =	vadd.f32 v48, v1;
	v0 =	vadd.f32 v49, v0;
	_ =	sdelay $0x1  }
0xa4: {  	v1 =	vadd.f32 v51, v1;
	v0 =	vadd.f32 v50, v0;
	_ =	sdelay $0x1  }
0xa5: {  	s25 =	simm.s32 $0x0;
	v0 =	vadd.f32 v0, v1  }
0xa6: {  	s25 =	sand.u32 $0x7E0, s25  }
0xa7: {  	[tilespmem:s25+$0x11030] =	vst v0  }
0xa8: {  	v0 =	vld [tilespmem:s3+$0xFFFFFED0]  }
0xa9: {  	v1 =	vld [tilespmem:s3+$0xFFFFFEF0]  }
0xaa: {  	v2 =	vld [tilespmem:s3+$0xFFFFFF30]  }
0xab: {  	v3 =	vld [tilespmem:s3+$0xFFFFFF10]  }
0xac: {  	v52 =	vld [tilespmem:s3+$0xFFFFFF70]  }
0xad: {  	v53 =	vld [tilespmem:s3+$0xFFFFFF50]  }
0xae: {  	v54 =	vld [tilespmem:s3+$0xFFFFFFB0]  }
0xaf: {  	v55 =	vld [tilespmem:s3+$0xFFFFFF90]  }
0xb0: {  	v1 =	vadd.f32 v2, v1;
	v0 =	vadd.f32 v3, v0;
	v2 =	vld [tilespmem:s3+$0xFFFFFFF0]  }
0xb1: {  	v3 =	vld [tilespmem:s3+$0xFFFFFFD0]  }
0xb2: {  	v56 =	vld [tilespmem:s3+$0x30];
	v1 =	vadd.f32 v52, v1;
	v0 =	vadd.f32 v53, v0  }
0xb3: {  	v57 =	vld [tilespmem:s3+$0x10]  }
0xb4: {  	v58 =	vld [tilespmem:s3+$0x70];
	v1 =	vadd.f32 v54, v1;
	v0 =	vadd.f32 v55, v0  }
0xb5: {  	v59 =	vld [tilespmem:s3+$0x50]  }
0xb6: {  	v1 =	vadd.f32 v2, v1;
	v0 =	vadd.f32 v3, v0;
	v2 =	vld [tilespmem:s3+$0xB0]  }
0xb7: {  	v3 =	vld [tilespmem:s3+$0x90]  }
0xb8: {  	v60 =	vld [tilespmem:s3+$0xF0];
	v1 =	vadd.f32 v56, v1;
	v0 =	vadd.f32 v57, v0  }
0xb9: {  	v61 =	vld [tilespmem:s3+$0xD0]  }
0xba: {  	v62 =	vld [tilespmem:s3+$0x130];
	v1 =	vadd.f32 v58, v1;
	v0 =	vadd.f32 v59, v0  }
0xbb: {  	v63 =	vld [tilespmem:s3+$0x110]  }
0xbc: {  	v1 =	vadd.f32 v2, v1;
	v0 =	vadd.f32 v3, v0;
	_ =	sdelay $0x1  }
0xbd: {  	v1 =	vadd.f32 v60, v1;
	v2 =	vadd.f32 v61, v0;
	_ =	sdelay $0x1  }
0xbe: {  	s7 =	simm.s32 $0x20;
	v0 =	vadd.f32 v62, v1;
	v1 =	vadd.f32 v63, v2  }
.LBB2_7:
0xbf: {  	p0 =	sne.s32 s7, $0x660  }
0xc0: {  	s3 =	sadd.s32 $0x280, s3;
	s8 =	smov.u32 s7;
	s7 =	sadd.s32 $0x20, s7  }
0xc1: {  	v0 =	vadd.f32 v0, v1  }
0xc2: {  	s25 =	sadd.s32 $0x11030, s25  }
0xc3: {  	[tilespmem:s25+$0x10] =	vst v0  }
0xc4: {  	v0 =	vld [tilespmem:s3+$0xFFFFFF20]  }
0xc5: {  	v1 =	vld [tilespmem:s3+$0xFFFFFF00]  }
0xc6: {  	v2 =	vld [tilespmem:s3+$0xFFFFFEC0]  }
0xc7: {  	v3 =	vld [tilespmem:s3+$0xFFFFFEE0]  }
0xc8: {  	v4 =	vld [tilespmem:s3+$0xFFFFFF40]  }
0xc9: {  	v5 =	vld [tilespmem:s3+$0xFFFFFF60]  }
0xca: {  	v6 =	vld [tilespmem:s3+$0xFFFFFF80]  }
0xcb: {  	v1 =	vadd.f32 v1, v2;
	v2 =	vld [tilespmem:s3+$0xFFFFFFA0]  }
0xcc: {  	v0 =	vadd.f32 v0, v3;
	v3 =	vld [tilespmem:s3+$0xFFFFFFC0]  }
0xcd: {  	v1 =	vadd.f32 v4, v1;
	v4 =	vld [tilespmem:s3+$0xFFFFFFE0]  }
0xce: {  	v0 =	vadd.f32 v5, v0;
	v5 =	vld [tilespmem:s3+$0x0]  }
0xcf: {  	v1 =	vadd.f32 v6, v1;
	v6 =	vld [tilespmem:s3+$0x20]  }
0xd0: {  	v0 =	vadd.f32 v2, v0;
	v2 =	vld [tilespmem:s3+$0x40]  }
0xd1: {  	v1 =	vadd.f32 v3, v1;
	v3 =	vld [tilespmem:s3+$0x60]  }
0xd2: {  	v0 =	vadd.f32 v4, v0;
	v4 =	vld [tilespmem:s3+$0x80]  }
0xd3: {  	v1 =	vadd.f32 v5, v1;
	v5 =	vld [tilespmem:s3+$0xA0]  }
0xd4: {  	v0 =	vadd.f32 v6, v0;
	v6 =	vld [tilespmem:s3+$0xC0]  }
0xd5: {  	v1 =	vadd.f32 v2, v1;
	v2 =	vld [tilespmem:s3+$0xE0]  }
0xd6: {  	v0 =	vadd.f32 v3, v0;
	v3 =	vld [tilespmem:s3+$0x120]  }
0xd7: {  	v1 =	vadd.f32 v4, v1;
	v4 =	vld [tilespmem:s3+$0x100]  }
0xd8: {  	v0 =	vadd.f32 v5, v0  }
0xd9: {  	v1 =	vadd.f32 v6, v1  }
0xda: {  	v0 =	vadd.f32 v2, v0;
	_ =	sdelay $0x1  }
0xdb: {  	v1 =	vadd.f32 v4, v1;
	v0 =	vadd.f32 v3, v0;
	_ =	sdelay $0x1  }
0xdc: {  	v0 =	vadd.f32 v0, v1  }
0xdd: {  	s25 =	sand.u32 $0x7E0, s8  }
0xde: {  	[tilespmem:s25+$0x11030] =	vst v0  }
0xdf: {  	v0 =	vld [tilespmem:s3+$0xFFFFFED0]  }
0xe0: {  	v1 =	vld [tilespmem:s3+$0xFFFFFEF0]  }
0xe1: {  	v2 =	vld [tilespmem:s3+$0xFFFFFF30]  }
0xe2: {  	v3 =	vld [tilespmem:s3+$0xFFFFFF10]  }
0xe3: {  	v4 =	vld [tilespmem:s3+$0xFFFFFF70]  }
0xe4: {  	v5 =	vld [tilespmem:s3+$0xFFFFFF50]  }
0xe5: {  	v6 =	vld [tilespmem:s3+$0xFFFFFFB0]  }
0xe6: {  	v1 =	vadd.f32 v2, v1;
	v2 =	vld [tilespmem:s3+$0xFFFFFF90]  }
0xe7: {  	v0 =	vadd.f32 v3, v0;
	v3 =	vld [tilespmem:s3+$0xFFFFFFF0]  }
0xe8: {  	v1 =	vadd.f32 v4, v1;
	v4 =	vld [tilespmem:s3+$0xFFFFFFD0]  }
0xe9: {  	v0 =	vadd.f32 v5, v0;
	v5 =	vld [tilespmem:s3+$0x30]  }
0xea: {  	v1 =	vadd.f32 v6, v1;
	v6 =	vld [tilespmem:s3+$0x10]  }
0xeb: {  	v0 =	vadd.f32 v2, v0;
	v2 =	vld [tilespmem:s3+$0x70]  }
0xec: {  	v1 =	vadd.f32 v3, v1;
	v3 =	vld [tilespmem:s3+$0x50]  }
0xed: {  	v0 =	vadd.f32 v4, v0;
	v4 =	vld [tilespmem:s3+$0xB0]  }
0xee: {  	v1 =	vadd.f32 v5, v1;
	v5 =	vld [tilespmem:s3+$0x90]  }
0xef: {  	v0 =	vadd.f32 v6, v0;
	v6 =	vld [tilespmem:s3+$0xF0]  }
0xf0: {  	v1 =	vadd.f32 v2, v1;
	v2 =	vld [tilespmem:s3+$0xD0]  }
0xf1: {  	v0 =	vadd.f32 v3, v0;
	v3 =	vld [tilespmem:s3+$0x130]  }
0xf2: {  	v1 =	vadd.f32 v4, v1;
	v4 =	vld [tilespmem:s3+$0x110]  }
.Ltmp2:
0xf3: {  	v0 =	vadd.f32 v5, v0;
	(pc) =	sbr.rel @p0 .LBB2_7-.Ltmp2, $4  }
0xf4: {  	v1 =	vadd.f32 v6, v1  }
0xf5: {  	v2 =	vadd.f32 v2, v0  }
0xf6: {  	v0 =	vadd.f32 v3, v1  }
0xf7: {  	v1 =	vadd.f32 v4, v2  }
0xf8: {  	s3 =	sadd.s32 s4, s1  }
0xf9: {  	s1 =	sadd.s32 $0x2, s1;
	p0 =	seq.s32 s0, $0x1F;
	v0 =	vadd.f32 v0, v1;
	s3 =	smul.u32 $0xD0, s3  }
0xfa: {  	s7 =	sadd.s32 $0x11030, s25;
	s1 =	simm.s32 @p0 $0x0  }
0xfb: {  	s25 =	simm.s32 $0x0;
	s1 =	sadd.s32 s4, s1;
	[tilespmem:s7+$0x10] =	vst v0;
	s3 =	sadd.s32 s2, s3  }
0xfc: {  	[hbm4b:s3+s25] =	stream.linear.scatter [tilespmem:s30], [sflag:$0x3], $0x680, $0x38;
	[tilespmem:$0x11D30] =	vst v63  }
0xfd: {  	s1 =	smul.u32 $0x82, s1;
	_ =	swait.ge [sflag:s11], $0x680  }
0xfe: {  	[sflag:s11] =	ssyncset.done $0x0  }
0xff: {  	s1 =	sadd.s32 s6, s1;
	[sflag:s11] =	ssyncadd.s32 $0xFFFFF980  }
0x100: {  	[tilespmem:s12], [sflag:$0x3] =	stream.linear.gather [hbm4b:s1+s25], $0x410, $0x38;
	[tilespmem:$0x11D30] =	vst v63  }
0x101: {  	_ =	swait.ge [sflag:s11], $0x410  }
0x102: {  	[sflag:s11] =	ssyncset.done $0x0  }
0x103: {  	s1 =	simm.s32 $0x0;
	[sflag:s11] =	ssyncadd.s32 $0xFFFFFBF0  }
0x104: {  	s3 =	simm.s32 $0x40;
	v0 =	vld [tilespmem:s1+$0x0]  }
.LBB2_9:
0x105: {  	p0 =	sne.s32 s3, $0x1000;
	v1 =	vld [tilespmem:s1+$0x410];
	_ =	sdelay $0x1  }
.Ltmp3:
0x106: {  	(pc) =	sbr.rel @p0 .LBB2_9-.Ltmp3, $3  }
0x107: {  	_ =	sdelay $0x1  }
0x108: {  	s7 =	sshra.s32 s3, $0x2;
	v1 =	vadd.s32 v1, v0  }
0x109: {  	s3 =	sadd.s32 $0x40, s3;
	v0 =	vld [tilespmem:s7+$0x0];
	[tilespmem:s1+$0x410] =	vst v1;
	s1 =	smov.u32 s7  }
0x10a: {  	v1 =	vld [tilespmem:s1+$0x410];
	_ =	sdelay $0x4  }
0x10b: {  	v0 =	vadd.s32 v1, v0  }
0x10c: {  	s8 =	simm.s32 $0xC30;
	[tilespmem:s1+$0x410] =	vst v0  }
0x10d: {  	[tilespmem:s8], [sflag:$0x1] =	stream.indirect.gather [hbm4b:s5+s13], $0x20, s12, s13, $0xb8;
	[tilespmem:$0x11D30] =	vst v63  }
0x10e: {  	s25 =	simm.s32 $0x460;
	s3 =	simm.s32 $0x1630  }
0x10f: {  	[tilespmem:s3], [sflag:$0x1] =	stream.indirect.gather [hbm4b:s5+s13], $0x20, s25, s13, $0xb8;
	[tilespmem:$0x11D30] =	vst v63  }
0x110: {  	s7 =	simm.s32 $0x2030;
	s3 =	simm.s32 $0x4B0  }
0x111: {  	[tilespmem:s7], [sflag:$0x1] =	stream.indirect.gather [hbm4b:s5+s13], $0x20, s3, s13, $0xb8;
	[tilespmem:$0x11D30] =	vst v63  }
0x112: {  	s8 =	simm.s32 $0x500;
	s25 =	simm.s32 $0x2A30  }
0x113: {  	[tilespmem:s25], [sflag:$0x1] =	stream.indirect.gather [hbm4b:s5+s13], $0x20, s8, s13, $0xb8;
	[tilespmem:$0x11D30] =	vst v63  }
0x114: {  	s3 =	simm.s32 $0x550;
	s7 =	simm.s32 $0x3430  }
0x115: {  	[tilespmem:s7], [sflag:$0x1] =	stream.indirect.gather [hbm4b:s5+s13], $0x20, s3, s13, $0xb8;
	[tilespmem:$0x11D30] =	vst v63  }
0x116: {  	s8 =	simm.s32 $0x5A0;
	s25 =	simm.s32 $0x3E30  }
0x117: {  	[tilespmem:s25], [sflag:$0x1] =	stream.indirect.gather [hbm4b:s5+s13], $0x20, s8, s13, $0xb8;
	[tilespmem:$0x11D30] =	vst v63  }
0x118: {  	s3 =	simm.s32 $0x5F0;
	s7 =	simm.s32 $0x4830  }
0x119: {  	[tilespmem:s7], [sflag:$0x1] =	stream.indirect.gather [hbm4b:s5+s13], $0x20, s3, s13, $0xb8;
	[tilespmem:$0x11D30] =	vst v63  }
0x11a: {  	s8 =	simm.s32 $0x640;
	s25 =	simm.s32 $0x5230  }
0x11b: {  	[tilespmem:s25], [sflag:$0x1] =	stream.indirect.gather [hbm4b:s5+s13], $0x20, s8, s13, $0xb8;
	[tilespmem:$0x11D30] =	vst v63  }
0x11c: {  	s3 =	simm.s32 $0x690;
	s7 =	simm.s32 $0x5C30  }
0x11d: {  	[tilespmem:s7], [sflag:$0x1] =	stream.indirect.gather [hbm4b:s5+s13], $0x20, s3, s13, $0xb8;
	[tilespmem:$0x11D30] =	vst v63  }
0x11e: {  	s8 =	simm.s32 $0x6E0;
	s25 =	simm.s32 $0x6630  }
0x11f: {  	[tilespmem:s25], [sflag:$0x1] =	stream.indirect.gather [hbm4b:s5+s13], $0x20, s8, s13, $0xb8;
	[tilespmem:$0x11D30] =	vst v63  }
0x120: {  	s7 =	simm.s32 $0x730;
	s8 =	simm.s32 $0x7030  }
0x121: {  	[tilespmem:s8], [sflag:$0x1] =	stream.indirect.gather [hbm4b:s5+s13], $0x20, s7, s13, $0xb8;
	[tilespmem:$0x11D30] =	vst v63  }
0x122: {  	_ = 	snop  }
0x123: {  	[tilespmem:s14], [sflag:$0x1] =	stream.indirect.gather [hbm4b:s5+s13], $0x20, s9, s13, $0xb8;
	[tilespmem:$0x11D30] =	vst v63  }
0x124: {  	_ = 	snop  }
0x125: {  	[tilespmem:s16], [sflag:$0x1] =	stream.indirect.gather [hbm4b:s5+s13], $0x20, s15, s13, $0xb8;
	[tilespmem:$0x11D30] =	vst v63  }
0x126: {  	_ =	swait.ge [sflag:s23], $0xA00  }
0x127: {  	[sflag:s23] =	ssyncset.done $0x0  }
0x128: {  	[sflag:s23] =	ssyncadd.s32 $0xFFFFF600  }
0x129: {  	_ =	swait.ge [sflag:s23], $0xA00  }
0x12a: {  	[sflag:s23] =	ssyncset.done $0x0  }
0x12b: {  	[sflag:s23] =	ssyncadd.s32 $0xFFFFF600  }
0x12c: {  	_ =	swait.ge [sflag:s23], $0xA00  }
0x12d: {  	[sflag:s23] =	ssyncset.done $0x0  }
0x12e: {  	[sflag:s23] =	ssyncadd.s32 $0xFFFFF600  }
0x12f: {  	_ =	swait.ge [sflag:s23], $0xA00  }
0x130: {  	[sflag:s23] =	ssyncset.done $0x0  }
0x131: {  	[sflag:s23] =	ssyncadd.s32 $0xFFFFF600  }
0x132: {  	_ =	swait.ge [sflag:s23], $0xA00  }
0x133: {  	[sflag:s23] =	ssyncset.done $0x0  }
0x134: {  	[sflag:s23] =	ssyncadd.s32 $0xFFFFF600  }
0x135: {  	_ =	swait.ge [sflag:s23], $0xA00  }
0x136: {  	[sflag:s23] =	ssyncset.done $0x0  }
0x137: {  	[sflag:s23] =	ssyncadd.s32 $0xFFFFF600  }
0x138: {  	_ =	swait.ge [sflag:s23], $0xA00  }
0x139: {  	[sflag:s23] =	ssyncset.done $0x0  }
0x13a: {  	[sflag:s23] =	ssyncadd.s32 $0xFFFFF600  }
0x13b: {  	_ =	swait.ge [sflag:s23], $0xA00  }
0x13c: {  	[sflag:s23] =	ssyncset.done $0x0  }
0x13d: {  	[sflag:s23] =	ssyncadd.s32 $0xFFFFF600  }
0x13e: {  	_ =	swait.ge [sflag:s23], $0xA00  }
0x13f: {  	[sflag:s23] =	ssyncset.done $0x0  }
0x140: {  	[sflag:s23] =	ssyncadd.s32 $0xFFFFF600  }
0x141: {  	_ =	swait.ge [sflag:s23], $0xA00  }
0x142: {  	[sflag:s23] =	ssyncset.done $0x0  }
0x143: {  	[sflag:s23] =	ssyncadd.s32 $0xFFFFF600  }
0x144: {  	_ =	swait.ge [sflag:s23], $0xA00  }
0x145: {  	[sflag:s23] =	ssyncset.done $0x0  }
0x146: {  	[sflag:s23] =	ssyncadd.s32 $0xFFFFF600  }
0x147: {  	_ =	swait.ge [sflag:s23], $0xA00  }
0x148: {  	[sflag:s23] =	ssyncset.done $0x0  }
0x149: {  	[sflag:s23] =	ssyncadd.s32 $0xFFFFF600  }
0x14a: {  	_ =	swait.ge [sflag:s23], $0xA00  }
0x14b: {  	[sflag:s23] =	ssyncset.done $0x0  }
0x14c: {  	s1 =	simm.s32 $0x8F70;
	[sflag:s23] =	ssyncadd.s32 $0xFFFFF600  }
0x14d: {  	v0 =	vld [tilespmem:s1+$0xFFFFFF20]  }
0x14e: {  	v1 =	vld [tilespmem:s1+$0xFFFFFF00]  }
0x14f: {  	v2 =	vld [tilespmem:s1+$0xFFFFFEC0]  }
0x150: {  	v3 =	vld [tilespmem:s1+$0xFFFFFEE0]  }
0x151: {  	v4 =	vld [tilespmem:s1+$0xFFFFFF40]  }
0x152: {  	v5 =	vld [tilespmem:s1+$0xFFFFFF60]  }
0x153: {  	v6 =	vld [tilespmem:s1+$0xFFFFFF80]  }
0x154: {  	v7 =	vld [tilespmem:s1+$0xFFFFFFA0]  }
0x155: {  	v1 =	vadd.f32 v1, v2;
	v0 =	vadd.f32 v0, v3;
	v2 =	vld [tilespmem:s1+$0xFFFFFFC0]  }
0x156: {  	v3 =	vld [tilespmem:s1+$0xFFFFFFE0]  }
0x157: {  	v44 =	vld [tilespmem:s1+$0x0];
	v1 =	vadd.f32 v4, v1;
	v0 =	vadd.f32 v5, v0  }
0x158: {  	v45 =	vld [tilespmem:s1+$0x20]  }
0x159: {  	v46 =	vld [tilespmem:s1+$0x40];
	v1 =	vadd.f32 v6, v1;
	v0 =	vadd.f32 v7, v0  }
0x15a: {  	v47 =	vld [tilespmem:s1+$0x60]  }
0x15b: {  	v1 =	vadd.f32 v2, v1;
	v0 =	vadd.f32 v3, v0;
	v2 =	vld [tilespmem:s1+$0x80]  }
0x15c: {  	v3 =	vld [tilespmem:s1+$0xA0]  }
0x15d: {  	v48 =	vld [tilespmem:s1+$0xC0];
	v1 =	vadd.f32 v44, v1;
	v0 =	vadd.f32 v45, v0  }
0x15e: {  	v49 =	vld [tilespmem:s1+$0xE0]  }
0x15f: {  	v50 =	vld [tilespmem:s1+$0x120];
	v1 =	vadd.f32 v46, v1;
	v0 =	vadd.f32 v47, v0  }
0x160: {  	v51 =	vld [tilespmem:s1+$0x100]  }
0x161: {  	v1 =	vadd.f32 v2, v1;
	v0 =	vadd.f32 v3, v0;
	_ =	sdelay $0x1  }
0x162: {  	v1 =	vadd.f32 v48, v1;
	v0 =	vadd.f32 v49, v0;
	_ =	sdelay $0x1  }
0x163: {  	v1 =	vadd.f32 v51, v1;
	v0 =	vadd.f32 v50, v0;
	_ =	sdelay $0x1  }
0x164: {  	s25 =	simm.s32 $0x0;
	v0 =	vadd.f32 v0, v1  }
0x165: {  	s7 =	sand.u32 $0x7E0, s25  }
0x166: {  	[tilespmem:s7+$0x116B0] =	vst v0  }
0x167: {  	v0 =	vld [tilespmem:s1+$0xFFFFFED0]  }
0x168: {  	v1 =	vld [tilespmem:s1+$0xFFFFFEF0]  }
0x169: {  	v2 =	vld [tilespmem:s1+$0xFFFFFF30]  }
0x16a: {  	v3 =	vld [tilespmem:s1+$0xFFFFFF10]  }
0x16b: {  	v52 =	vld [tilespmem:s1+$0xFFFFFF70]  }
0x16c: {  	v53 =	vld [tilespmem:s1+$0xFFFFFF50]  }
0x16d: {  	v54 =	vld [tilespmem:s1+$0xFFFFFFB0]  }
0x16e: {  	v55 =	vld [tilespmem:s1+$0xFFFFFF90]  }
0x16f: {  	v1 =	vadd.f32 v2, v1;
	v0 =	vadd.f32 v3, v0;
	v2 =	vld [tilespmem:s1+$0xFFFFFFF0]  }
0x170: {  	v3 =	vld [tilespmem:s1+$0xFFFFFFD0]  }
0x171: {  	v56 =	vld [tilespmem:s1+$0x30];
	v1 =	vadd.f32 v52, v1;
	v0 =	vadd.f32 v53, v0  }
0x172: {  	v57 =	vld [tilespmem:s1+$0x10]  }
0x173: {  	v58 =	vld [tilespmem:s1+$0x70];
	v1 =	vadd.f32 v54, v1;
	v0 =	vadd.f32 v55, v0  }
0x174: {  	v59 =	vld [tilespmem:s1+$0x50]  }
0x175: {  	v1 =	vadd.f32 v2, v1;
	v0 =	vadd.f32 v3, v0;
	v2 =	vld [tilespmem:s1+$0xB0]  }
0x176: {  	v3 =	vld [tilespmem:s1+$0x90]  }
0x177: {  	v60 =	vld [tilespmem:s1+$0xF0];
	v1 =	vadd.f32 v56, v1;
	v0 =	vadd.f32 v57, v0  }
0x178: {  	v61 =	vld [tilespmem:s1+$0xD0]  }
0x179: {  	v62 =	vld [tilespmem:s1+$0x130];
	v1 =	vadd.f32 v58, v1;
	v0 =	vadd.f32 v59, v0  }
0x17a: {  	v63 =	vld [tilespmem:s1+$0x110]  }
0x17b: {  	v1 =	vadd.f32 v2, v1;
	v0 =	vadd.f32 v3, v0;
	_ =	sdelay $0x1  }
0x17c: {  	v1 =	vadd.f32 v60, v1;
	v2 =	vadd.f32 v61, v0;
	_ =	sdelay $0x1  }
0x17d: {  	s3 =	simm.s32 $0x20;
	v0 =	vadd.f32 v62, v1;
	v1 =	vadd.f32 v63, v2  }
.LBB2_11:
0x17e: {  	p0 =	sne.s32 s3, $0x660  }
0x17f: {  	s1 =	sadd.s32 $0x280, s1;
	s8 =	smov.u32 s3;
	s3 =	sadd.s32 $0x20, s3  }
0x180: {  	v0 =	vadd.f32 v0, v1  }
0x181: {  	s7 =	sadd.s32 $0x116B0, s7  }
0x182: {  	[tilespmem:s7+$0x10] =	vst v0  }
0x183: {  	v0 =	vld [tilespmem:s1+$0xFFFFFF20]  }
0x184: {  	v1 =	vld [tilespmem:s1+$0xFFFFFF00]  }
0x185: {  	v2 =	vld [tilespmem:s1+$0xFFFFFEC0]  }
0x186: {  	v3 =	vld [tilespmem:s1+$0xFFFFFEE0]  }
0x187: {  	v4 =	vld [tilespmem:s1+$0xFFFFFF40]  }
0x188: {  	v5 =	vld [tilespmem:s1+$0xFFFFFF60]  }
0x189: {  	v6 =	vld [tilespmem:s1+$0xFFFFFF80]  }
0x18a: {  	v1 =	vadd.f32 v1, v2;
	v2 =	vld [tilespmem:s1+$0xFFFFFFA0]  }
0x18b: {  	v0 =	vadd.f32 v0, v3;
	v3 =	vld [tilespmem:s1+$0xFFFFFFC0]  }
0x18c: {  	v1 =	vadd.f32 v4, v1;
	v4 =	vld [tilespmem:s1+$0xFFFFFFE0]  }
0x18d: {  	v0 =	vadd.f32 v5, v0;
	v5 =	vld [tilespmem:s1+$0x0]  }
0x18e: {  	v1 =	vadd.f32 v6, v1;
	v6 =	vld [tilespmem:s1+$0x20]  }
0x18f: {  	v0 =	vadd.f32 v2, v0;
	v2 =	vld [tilespmem:s1+$0x40]  }
0x190: {  	v1 =	vadd.f32 v3, v1;
	v3 =	vld [tilespmem:s1+$0x60]  }
0x191: {  	v0 =	vadd.f32 v4, v0;
	v4 =	vld [tilespmem:s1+$0x80]  }
0x192: {  	v1 =	vadd.f32 v5, v1;
	v5 =	vld [tilespmem:s1+$0xA0]  }
0x193: {  	v0 =	vadd.f32 v6, v0;
	v6 =	vld [tilespmem:s1+$0xC0]  }
0x194: {  	v1 =	vadd.f32 v2, v1;
	v2 =	vld [tilespmem:s1+$0xE0]  }
0x195: {  	v0 =	vadd.f32 v3, v0;
	v3 =	vld [tilespmem:s1+$0x120]  }
0x196: {  	v1 =	vadd.f32 v4, v1;
	v4 =	vld [tilespmem:s1+$0x100]  }
0x197: {  	v0 =	vadd.f32 v5, v0  }
0x198: {  	v1 =	vadd.f32 v6, v1  }
0x199: {  	v0 =	vadd.f32 v2, v0;
	_ =	sdelay $0x1  }
0x19a: {  	v1 =	vadd.f32 v4, v1;
	v0 =	vadd.f32 v3, v0;
	_ =	sdelay $0x1  }
0x19b: {  	v0 =	vadd.f32 v0, v1  }
0x19c: {  	s7 =	sand.u32 $0x7E0, s8  }
0x19d: {  	[tilespmem:s7+$0x116B0] =	vst v0  }
0x19e: {  	v0 =	vld [tilespmem:s1+$0xFFFFFED0]  }
0x19f: {  	v1 =	vld [tilespmem:s1+$0xFFFFFEF0]  }
0x1a0: {  	v2 =	vld [tilespmem:s1+$0xFFFFFF30]  }
0x1a1: {  	v3 =	vld [tilespmem:s1+$0xFFFFFF10]  }
0x1a2: {  	v4 =	vld [tilespmem:s1+$0xFFFFFF70]  }
0x1a3: {  	v5 =	vld [tilespmem:s1+$0xFFFFFF50]  }
0x1a4: {  	v6 =	vld [tilespmem:s1+$0xFFFFFFB0]  }
0x1a5: {  	v1 =	vadd.f32 v2, v1;
	v2 =	vld [tilespmem:s1+$0xFFFFFF90]  }
0x1a6: {  	v0 =	vadd.f32 v3, v0;
	v3 =	vld [tilespmem:s1+$0xFFFFFFF0]  }
0x1a7: {  	v1 =	vadd.f32 v4, v1;
	v4 =	vld [tilespmem:s1+$0xFFFFFFD0]  }
0x1a8: {  	v0 =	vadd.f32 v5, v0;
	v5 =	vld [tilespmem:s1+$0x30]  }
0x1a9: {  	v1 =	vadd.f32 v6, v1;
	v6 =	vld [tilespmem:s1+$0x10]  }
0x1aa: {  	v0 =	vadd.f32 v2, v0;
	v2 =	vld [tilespmem:s1+$0x70]  }
0x1ab: {  	v1 =	vadd.f32 v3, v1;
	v3 =	vld [tilespmem:s1+$0x50]  }
0x1ac: {  	v0 =	vadd.f32 v4, v0;
	v4 =	vld [tilespmem:s1+$0xB0]  }
0x1ad: {  	v1 =	vadd.f32 v5, v1;
	v5 =	vld [tilespmem:s1+$0x90]  }
0x1ae: {  	v0 =	vadd.f32 v6, v0;
	v6 =	vld [tilespmem:s1+$0xF0]  }
0x1af: {  	v1 =	vadd.f32 v2, v1;
	v2 =	vld [tilespmem:s1+$0xD0]  }
0x1b0: {  	v0 =	vadd.f32 v3, v0;
	v3 =	vld [tilespmem:s1+$0x130]  }
0x1b1: {  	v1 =	vadd.f32 v4, v1;
	v4 =	vld [tilespmem:s1+$0x110]  }
.Ltmp4:
0x1b2: {  	v0 =	vadd.f32 v5, v0;
	(pc) =	sbr.rel @p0 .LBB2_11-.Ltmp4, $4  }
0x1b3: {  	v1 =	vadd.f32 v6, v1  }
0x1b4: {  	v2 =	vadd.f32 v2, v0  }
0x1b5: {  	v0 =	vadd.f32 v3, v1  }
0x1b6: {  	v1 =	vadd.f32 v4, v2  }
0x1b7: {  	_ = 	snop  }
0x1b8: {  	s1 =	smul.u32 $0xD0, s24;
	s0 =	sadd.s32 $0x1, s0;
	v0 =	vadd.f32 v0, v1  }
0x1b9: {  	s3 =	sadd.s32 $0x116B0, s7;
	p0 =	sne.s32 s0, $0x20  }
.Ltmp5:
0x1ba: {  	s1 =	sadd.s32 s2, s1;
	[tilespmem:s3+$0x10] =	vst v0;
	(pc) =	sbr.rel @p0 .LBB2_4-.Ltmp5, $4  }
0x1bb: {  	[hbm4b:s1+s21] =	stream.linear.scatter [tilespmem:s31], [sflag:$0x3], $0x680, $0x38;
	[tilespmem:$0x11D30] =	vst v63  }
0x1bc: {  	_ =	swait.ge [sflag:s11], $0x680  }
0x1bd: {  	[sflag:s11] =	ssyncset.done $0x0  }
0x1be: {  	[sflag:s11] =	ssyncadd.s32 $0xFFFFF980  }
0x1bf: {  	_ =	swait.ge [sflag:s20], $0xA00  }
0x1c0: {  	[sflag:s20] =	ssyncset.done $0x0  }
0x1c1: {  	[sflag:s20] =	ssyncadd.s32 $0xFFFFF600  }
0x1c2: {  	_ =	swait.ge [sflag:s20], $0xA00  }
0x1c3: {  	[sflag:s20] =	ssyncset.done $0x0  }
0x1c4: {  	[sflag:s20] =	ssyncadd.s32 $0xFFFFF600  }
0x1c5: {  	_ =	swait.ge [sflag:s20], $0xA00  }
0x1c6: {  	[sflag:s20] =	ssyncset.done $0x0  }
0x1c7: {  	[sflag:s20] =	ssyncadd.s32 $0xFFFFF600  }
0x1c8: {  	_ =	swait.ge [sflag:s20], $0xA00  }
0x1c9: {  	[sflag:s20] =	ssyncset.done $0x0  }
0x1ca: {  	[sflag:s20] =	ssyncadd.s32 $0xFFFFF600  }
0x1cb: {  	_ =	swait.ge [sflag:s20], $0xA00  }
0x1cc: {  	[sflag:s20] =	ssyncset.done $0x0  }
0x1cd: {  	[sflag:s20] =	ssyncadd.s32 $0xFFFFF600  }
0x1ce: {  	_ =	swait.ge [sflag:s20], $0xA00  }
0x1cf: {  	[sflag:s20] =	ssyncset.done $0x0  }
0x1d0: {  	[sflag:s20] =	ssyncadd.s32 $0xFFFFF600  }
0x1d1: {  	_ =	swait.ge [sflag:s20], $0xA00  }
0x1d2: {  	[sflag:s20] =	ssyncset.done $0x0  }
0x1d3: {  	[sflag:s20] =	ssyncadd.s32 $0xFFFFF600  }
0x1d4: {  	_ =	swait.ge [sflag:s20], $0xA00  }
0x1d5: {  	[sflag:s20] =	ssyncset.done $0x0  }
0x1d6: {  	[sflag:s20] =	ssyncadd.s32 $0xFFFFF600  }
0x1d7: {  	_ =	swait.ge [sflag:s20], $0xA00  }
0x1d8: {  	[sflag:s20] =	ssyncset.done $0x0  }
0x1d9: {  	[sflag:s20] =	ssyncadd.s32 $0xFFFFF600  }
0x1da: {  	_ =	swait.ge [sflag:s20], $0xA00  }
0x1db: {  	[sflag:s20] =	ssyncset.done $0x0  }
0x1dc: {  	[sflag:s20] =	ssyncadd.s32 $0xFFFFF600  }
0x1dd: {  	_ =	swait.ge [sflag:s20], $0xA00  }
0x1de: {  	[sflag:s20] =	ssyncset.done $0x0  }
0x1df: {  	[sflag:s20] =	ssyncadd.s32 $0xFFFFF600  }
0x1e0: {  	_ =	swait.ge [sflag:s20], $0xA00  }
0x1e1: {  	[sflag:s20] =	ssyncset.done $0x0  }
0x1e2: {  	[sflag:s20] =	ssyncadd.s32 $0xFFFFF600  }
0x1e3: {  	_ =	swait.ge [sflag:s20], $0xA00  }
0x1e4: {  	s1 =	rddreg [dreg:$0x6]  }
0x1e5: {  	s0 =	rddreg [dreg:$0x5];
	s1 =	sadd.s32 $0x1, s1  }
0x1e6: {  	p0 =	sne.s32 s1, s0  }
.Ltmp6:
0x1e7: {  	_ = 	snop;
	(pc) =	sbr.rel @p0 .LBB2_1-.Ltmp6, $3  }
0x1e8: {  	_ =	sdelay $0x1  }
0x1e9: {  	[sflag:s20] =	ssyncset.done $0x0  }
0x1ea: {  	[sflag:s20] =	ssyncadd.s32 $0xFFFFF600  }
0x1eb: {  	_ =	sfence.sel $0x180000  }
0x1ec: {  	[bflag:$0x0] =	sbarrier.arrive $0xFFFF  }
0x1ed: {  	_ =	strace $0x90000047  }
0x1ee: {  	s0 =	stileid.u32;
	[bflag:$0x2] =	sbarrier.arrive $0xFFFF  }
0x1ef: {  	p0 =	sne.s32 s0, $0x0;
	s0 =	rddreg [dreg:$0x2]  }
0x1f0: {  	s0 =	sadd.s32 @!p0 $0x100000, s0  }
0x1f1: {  	[sflag:s0] =	ssyncadd.tile.s32 @!p0 $0x1;
	_ =	shalt  }
.Lfunc_end2:
_tile_overlayer_lowered:
.L_overlay_start_2:
0x1f2: {  	(tag) =	ssettag $0x2  }
0x1f3: {  	s0 =	rddreg [dreg:$0x0];
	s2 =	stileid.u32  }
0x1f4: {  	s1 =	rddreg [dreg:$0x1];
	p0 =	sne.s32 s2, $0x0  }
0x1f5: {  	s3 =	rddreg [dreg:$0x2];
	[bflag:$0x3] =	sbarrier.arrive $0xFFFF;
	s2 =	simm.s32 @!p0 $0x1C03  }
0x1f6: {  	[timem:s3], [sflag:s2] =	dma.local @!p0 [hbm:s0], s1  }
0x1f7: {  	s0 =	simm.s32 @!p0 $0x3  }
0x1f8: {  	_ =	swait.ge @!p0 [sflag:s0], s1  }
0x1f9: {  	s1 =	ssub.s32 @!p0 $0x0, s1;
	[sflag:s0] =	ssyncset.done @!p0 $0x0  }
0x1fa: {  	[sflag:s0] =	ssyncadd.s32 @!p0 s1  }
0x1fb: {  	[bflag:$0x3] =	sbarrier.arrive $0xFFFF  }
0x1fc: {  	_ =	shalt  }

</sc_bundles>
